<compile_context>
chip_gen: v7x
topology: tpu7x:2x2x1
jax: 0.10.2.dev20260603
libtpu: 0.0.44.dev20260713+nightly
codegen_flags: <defaults>
</compile_context>

<pallas_src>
import functools

import jax
import jax.numpy as jnp
from jax import lax
from jax.experimental import pallas as pl
from jax.experimental.pallas import tpu as pltpu
from jax.experimental.pallas import tpu_sc as plsc

BATCH = 16384
DEPTH = 1000
NUM_CORES = 2
NUM_SUBCORES = 16
NUM_WORKERS = NUM_CORES * NUM_SUBCORES
PER_W = BATCH // NUM_WORKERS
CW = 128
CHUNKS = PER_W // CW
LANES = 16
GROUPS = CW // LANES
QBOUNDS = (0, 248, 504, 752, 1000)


def _one_hot_body(idx_hbm, out_hbm, idx_v, buf, sem, isem):
    wid = lax.axis_index("s") * NUM_CORES + lax.axis_index("c")
    base = wid * PER_W

    idx_cp = pltpu.async_copy(
        idx_hbm.at[pl.ds(base * 1, PER_W)], idx_v, isem
    )

    zeros16 = jnp.zeros((LANES,), jnp.float32)
    ones16 = jnp.full((LANES,), 1.0, jnp.float32)
    iota16 = lax.iota(jnp.int32, LANES)

    def _zero(r, _):
        for u in range(GROUPS):
            buf[r, pl.ds(u * LANES, LANES)] = zeros16
        return _

    def scatter_stripe(c, vals):
        for g in range(GROUPS):
            idx16 = idx_v[pl.ds(c * CW + g * LANES, LANES)]
            cols16 = g * LANES + iota16
            plsc.store_scatter(buf, [idx16, cols16], vals)

    def scatter_range(c, lo, hi):
        for g in range(GROUPS):
            idx16 = idx_v[pl.ds(c * CW + g * LANES, LANES)]
            cols16 = g * LANES + iota16
            in_range = (idx16 >= lo) & (idx16 < hi)
            vals = jnp.where(in_range, ones16, zeros16)
            plsc.store_scatter(buf, [idx16, cols16], vals)

    def stripe_dma(c, lo, nrows):
        return pltpu.async_copy(
            buf.at[pl.ds(lo, nrows)],
            out_hbm.at[pl.ds(lo, nrows), pl.ds(base + c * CW, CW)],
            sem,
        )

    lax.fori_loop(0, QBOUNDS[1], _zero, None)
    idx_cp.wait()
    prev = None
    for q in range(len(QBOUNDS) - 1):
        lo, hi = QBOUNDS[q], QBOUNDS[q + 1]
        if prev is not None:
            prev.wait()
        scatter_range(0, lo, hi)
        prev = stripe_dma(0, lo, hi - lo)
        if q + 2 < len(QBOUNDS):
            lax.fori_loop(QBOUNDS[q + 1], QBOUNDS[q + 2], _zero, None)
    prev.wait()
    scatter_stripe(0, zeros16)

    for c in range(1, CHUNKS):
        scatter_stripe(c, ones16)
        stripe_dma(c, 0, DEPTH).wait()
        if c + 1 < CHUNKS:
            scatter_stripe(c, zeros16)


@functools.partial(jax.jit, static_argnames=())
def _one_hot_sc(idx):
    mesh = plsc.VectorSubcoreMesh(core_axis_name="c", subcore_axis_name="s")
    k = functools.partial(
        pl.kernel,
        mesh=mesh,
        out_type=jax.ShapeDtypeStruct((DEPTH, BATCH), jnp.float32),
        scratch_types=[
            pltpu.VMEM((PER_W,), jnp.int32),
            pltpu.VMEM((DEPTH, CW), jnp.float32),
            pltpu.SemaphoreType.DMA,
            pltpu.SemaphoreType.DMA,
        ],
        compiler_params=pltpu.CompilerParams(
            needs_layout_passes=False,
            use_tc_tiling_on_sc=True,
        ),
    )(_one_hot_body)
    return k(idx).T


def kernel(X_in, ones):
    del ones
    return _one_hot_sc(X_in.astype(jnp.int32))

# --- scband reference (transcript-rebuilt; emitter-appended) ---
"""Pipeline reference for scband-one-hot-2499670966476 (READ-ONLY COPY).

The authoritative reference and input builder live on the scoring server;
editing this copy changes nothing except your own understanding.
"""

import jax, jax.numpy as jnp
import numpy as np

DEPTH = 1000
BATCH = 16384

def setup_inputs(seed: int = 0) -> dict:
    key = jax.random.key(seed)
    k1, = jax.random.split(key, 1)
    X_in = jax.random.randint(k1, (BATCH,), 0, DEPTH, dtype=jnp.int64 if jax.config.jax_enable_x64 else jnp.int32)
    ones = jnp.eye(DEPTH, dtype=jnp.float32)
    return {"X_in": X_in, "ones": ones}

def reference(X_in, ones):
    # torch: self.ones.index_select(0, X_in.long()) -> row gather from identity
    idx = X_in.astype(jnp.int32)
    return jnp.take(ones, idx, axis=0)

if __name__ == "__main__":
    import jax
    _d = setup_inputs()
    print(jax.jit(kernel)(*tuple(_d.values())))

</pallas_src>

<mosaic_0001>
#map = affine_map<(d0, d1) -> (0)>
#map1 = affine_map<(d0, d1) -> (0, 0)>
module attributes {stable_mosaic.version = 14 : i64} {
  func.func @_one_hot_body(%arg0: i32, %arg1: i32, %arg2: memref<16384xi32, #tpu.memory_space<hbm>>, %arg3: memref<1000x16384xf32, #tpu.memory_space<hbm>>, %arg4: memref<512xi32, #tpu.memory_space<vmem>>, %arg5: memref<1000x128xf32, #tpu.memory_space<vmem>>, %arg6: memref<!tpu.dma_semaphore, #tpu.memory_space<semaphore_mem>>, %arg7: memref<!tpu.dma_semaphore, #tpu.memory_space<semaphore_mem>>) attributes {dimension_semantics = [#tpu.dimension_semantics<core_parallel>, #tpu.dimension_semantics<subcore_parallel>], iteration_bounds = array<i64: 2, 16>, scalar_prefetch = 0 : i64, scratch_operands = 4 : i64, tpu.core_type = #tpu.core_type<sc_vector_subcore>, window_params = [{transform_indices = #map}, {transform_indices = #map1}]} {
    %mul3A = arith.constant 2 : i32
    %mul3A_0 = arith.muli %arg1, %mul3A : i32
    %add3A = arith.addi %mul3A_0, %arg0 : i32
    %mul3A_1 = arith.constant 512 : i32
    %mul3A_2 = arith.muli %add3A, %mul3A_1 : i32
    %mul3A_3 = arith.constant 1 : i32
    %mul3A_4 = arith.muli %mul3A_2, %mul3A_3 : i32
    %dma_start3A = tpu.memref_slice %arg2[%mul3A_4] : memref<16384xi32, #tpu.memory_space<hbm>> -> memref<512xi32, #tpu.memory_space<hbm>>
    %dma_start3A_5 = tpu.memref_slice %arg2[%mul3A_4] : memref<16384xi32, #tpu.memory_space<hbm>> -> memref<512xi32, #tpu.memory_space<hbm>>
    tpu.enqueue_dma source(%dma_start3A_5 : memref<512xi32, #tpu.memory_space<hbm>>) target(%arg4 : memref<512xi32, #tpu.memory_space<vmem>>) target_semaphore(%arg7 : memref<!tpu.dma_semaphore, #tpu.memory_space<semaphore_mem>>)
    %broadcast_in_dim3A = arith.constant 0.000000e+00 : f32
    %broadcast_in_dim3A_6 = vector.broadcast %broadcast_in_dim3A : f32 to vector<16xf32>
    %broadcast_in_dim3A_7 = arith.constant 1.000000e+00 : f32
    %broadcast_in_dim3A_8 = vector.broadcast %broadcast_in_dim3A_7 : f32 to vector<16xf32>
    %iota3A = tpu.iota {dimensions = array<i32: 0>} : vector<16xi32>
    %scan3A = arith.constant 0 : i32
    %scan3A_9 = arith.constant 248 : i32
    %scan3A_10 = arith.addi %scan3A, %scan3A_9 : i32
    %scan3A_11 = arith.constant 1 : i32
    scf.for %scan3A_834 = %scan3A to %scan3A_10 step %scan3A_11  : i32 {
      %swap3A = arith.index_cast %scan3A_834 : i32 to index
      %swap3A_835 = arith.constant 0 : index
      %swap3A_836 = tpu.vector_load %arg5[%swap3A, %swap3A_835] {strides = array<i32>} : memref<1000x128xf32, #tpu.memory_space<vmem>>, vector<16xf32>,
      tpu.vector_store %arg5[%swap3A, %swap3A_835], %broadcast_in_dim3A_6 {strides = array<i32>} : memref<1000x128xf32, #tpu.memory_space<vmem>>, vector<16xf32>,
      %swap3A_837 = arith.index_cast %scan3A_834 : i32 to index
      %swap3A_838 = arith.constant 16 : index
      %swap3A_839 = tpu.vector_load %arg5[%swap3A_837, %swap3A_838] {strides = array<i32>} : memref<1000x128xf32, #tpu.memory_space<vmem>>, vector<16xf32>,
      tpu.vector_store %arg5[%swap3A_837, %swap3A_838], %broadcast_in_dim3A_6 {strides = array<i32>} : memref<1000x128xf32, #tpu.memory_space<vmem>>, vector<16xf32>,
      %swap3A_840 = arith.index_cast %scan3A_834 : i32 to index
      %swap3A_841 = arith.constant 32 : index
      %swap3A_842 = tpu.vector_load %arg5[%swap3A_840, %swap3A_841] {strides = array<i32>} : memref<1000x128xf32, #tpu.memory_space<vmem>>, vector<16xf32>,
      tpu.vector_store %arg5[%swap3A_840, %swap3A_841], %broadcast_in_dim3A_6 {strides = array<i32>} : memref<1000x128xf32, #tpu.memory_space<vmem>>, vector<16xf32>,
      %swap3A_843 = arith.index_cast %scan3A_834 : i32 to index
      %swap3A_844 = arith.constant 48 : index
      %swap3A_845 = tpu.vector_load %arg5[%swap3A_843, %swap3A_844] {strides = array<i32>} : memref<1000x128xf32, #tpu.memory_space<vmem>>, vector<16xf32>,
      tpu.vector_store %arg5[%swap3A_843, %swap3A_844], %broadcast_in_dim3A_6 {strides = array<i32>} : memref<1000x128xf32, #tpu.memory_space<vmem>>, vector<16xf32>,
      %swap3A_846 = arith.index_cast %scan3A_834 : i32 to index
      %swap3A_847 = arith.constant 64 : index
      %swap3A_848 = tpu.vector_load %arg5[%swap3A_846, %swap3A_847] {strides = array<i32>} : memref<1000x128xf32, #tpu.memory_space<vmem>>, vector<16xf32>,
      tpu.vector_store %arg5[%swap3A_846, %swap3A_847], %broadcast_in_dim3A_6 {strides = array<i32>} : memref<1000x128xf32, #tpu.memory_space<vmem>>, vector<16xf32>,
      %swap3A_849 = arith.index_cast %scan3A_834 : i32 to index
      %swap3A_850 = arith.constant 80 : index
      %swap3A_851 = tpu.vector_load %arg5[%swap3A_849, %swap3A_850] {strides = array<i32>} : memref<1000x128xf32, #tpu.memory_space<vmem>>, vector<16xf32>,
      tpu.vector_store %arg5[%swap3A_849, %swap3A_850], %broadcast_in_dim3A_6 {strides = array<i32>} : memref<1000x128xf32, #tpu.memory_space<vmem>>, vector<16xf32>,
      %swap3A_852 = arith.index_cast %scan3A_834 : i32 to index
      %swap3A_853 = arith.constant 96 : index
      %swap3A_854 = tpu.vector_load %arg5[%swap3A_852, %swap3A_853] {strides = array<i32>} : memref<1000x128xf32, #tpu.memory_space<vmem>>, vector<16xf32>,
      tpu.vector_store %arg5[%swap3A_852, %swap3A_853], %broadcast_in_dim3A_6 {strides = array<i32>} : memref<1000x128xf32, #tpu.memory_space<vmem>>, vector<16xf32>,
      %swap3A_855 = arith.index_cast %scan3A_834 : i32 to index
      %swap3A_856 = arith.constant 112 : index
      %swap3A_857 = tpu.vector_load %arg5[%swap3A_855, %swap3A_856] {strides = array<i32>} : memref<1000x128xf32, #tpu.memory_space<vmem>>, vector<16xf32>,
      tpu.vector_store %arg5[%swap3A_855, %swap3A_856], %broadcast_in_dim3A_6 {strides = array<i32>} : memref<1000x128xf32, #tpu.memory_space<vmem>>, vector<16xf32>,
    }
    %scan3A_12 = arith.constant 248 : i32
    %dma_wait3A = tpu.memref_slice %arg2[%mul3A_4] : memref<16384xi32, #tpu.memory_space<hbm>> -> memref<512xi32, #tpu.memory_space<hbm>>
    %dma_wait3A_13 = tpu.memref_slice %arg2[%mul3A_4] : memref<16384xi32, #tpu.memory_space<hbm>> -> memref<512xi32, #tpu.memory_space<hbm>>
    tpu.wait_dma2 semaphore(%arg7 : memref<!tpu.dma_semaphore, #tpu.memory_space<semaphore_mem>>) src(%dma_wait3A_13 : memref<512xi32, #tpu.memory_space<hbm>>) dst(%arg4 : memref<512xi32, #tpu.memory_space<vmem>>)
    %get3A = arith.constant 0 : index
    %get3A_14 = tpu.vector_load %arg4[%get3A] {strides = array<i32>} : memref<512xi32, #tpu.memory_space<vmem>>, vector<16xi32>,
    %add3A_15 = arith.constant 0 : i32
    %add3A_16 = vector.broadcast %add3A_15 : i32 to vector<16xi32>
    %add3A_17 = arith.addi %add3A_16, %iota3A : vector<16xi32>
    %ge3A = arith.constant 0 : i32
    %ge3A_18 = vector.broadcast %ge3A : i32 to vector<16xi32>
    %ge3A_19 = arith.cmpi sge, %get3A_14, %ge3A_18 : vector<16xi32>
    %lt3A = arith.constant 248 : i32
    %lt3A_20 = vector.broadcast %lt3A : i32 to vector<16xi32>
    %lt3A_21 = arith.cmpi slt, %get3A_14, %lt3A_20 : vector<16xi32>
    %and3A = arith.andi %ge3A_19, %lt3A_21 : vector<16xi1>
    %select_n3A = arith.select %and3A, %broadcast_in_dim3A_8, %broadcast_in_dim3A_6 : vector<16xi1>, vector<16xf32>
    tpu.vector_store_idx %arg5[%get3A_14, %add3A_17], %select_n3A : memref<1000x128xf32, #tpu.memory_space<vmem>>[vector<16xi32>, vector<16xi32>], vector<16xf32>,
    %get3A_22 = arith.constant 16 : index
    %get3A_23 = tpu.vector_load %arg4[%get3A_22] {strides = array<i32>} : memref<512xi32, #tpu.memory_space<vmem>>, vector<16xi32>,
    %add3A_24 = arith.constant 16 : i32
    %add3A_25 = vector.broadcast %add3A_24 : i32 to vector<16xi32>
    %add3A_26 = arith.addi %add3A_25, %iota3A : vector<16xi32>
    %ge3A_27 = arith.constant 0 : i32
    %ge3A_28 = vector.broadcast %ge3A_27 : i32 to vector<16xi32>
    %ge3A_29 = arith.cmpi sge, %get3A_23, %ge3A_28 : vector<16xi32>
    %lt3A_30 = arith.constant 248 : i32
    %lt3A_31 = vector.broadcast %lt3A_30 : i32 to vector<16xi32>
    %lt3A_32 = arith.cmpi slt, %get3A_23, %lt3A_31 : vector<16xi32>
    %and3A_33 = arith.andi %ge3A_29, %lt3A_32 : vector<16xi1>
    %select_n3A_34 = arith.select %and3A_33, %broadcast_in_dim3A_8, %broadcast_in_dim3A_6 : vector<16xi1>, vector<16xf32>
    tpu.vector_store_idx %arg5[%get3A_23, %add3A_26], %select_n3A_34 : memref<1000x128xf32, #tpu.memory_space<vmem>>[vector<16xi32>, vector<16xi32>], vector<16xf32>,
    %get3A_35 = arith.constant 32 : index
    %get3A_36 = tpu.vector_load %arg4[%get3A_35] {strides = array<i32>} : memref<512xi32, #tpu.memory_space<vmem>>, vector<16xi32>,
    %add3A_37 = arith.constant 32 : i32
    %add3A_38 = vector.broadcast %add3A_37 : i32 to vector<16xi32>
    %add3A_39 = arith.addi %add3A_38, %iota3A : vector<16xi32>
    %ge3A_40 = arith.constant 0 : i32
    %ge3A_41 = vector.broadcast %ge3A_40 : i32 to vector<16xi32>
    %ge3A_42 = arith.cmpi sge, %get3A_36, %ge3A_41 : vector<16xi32>
    %lt3A_43 = arith.constant 248 : i32
    %lt3A_44 = vector.broadcast %lt3A_43 : i32 to vector<16xi32>
    %lt3A_45 = arith.cmpi slt, %get3A_36, %lt3A_44 : vector<16xi32>
    %and3A_46 = arith.andi %ge3A_42, %lt3A_45 : vector<16xi1>
    %select_n3A_47 = arith.select %and3A_46, %broadcast_in_dim3A_8, %broadcast_in_dim3A_6 : vector<16xi1>, vector<16xf32>
    tpu.vector_store_idx %arg5[%get3A_36, %add3A_39], %select_n3A_47 : memref<1000x128xf32, #tpu.memory_space<vmem>>[vector<16xi32>, vector<16xi32>], vector<16xf32>,
    %get3A_48 = arith.constant 48 : index
    %get3A_49 = tpu.vector_load %arg4[%get3A_48] {strides = array<i32>} : memref<512xi32, #tpu.memory_space<vmem>>, vector<16xi32>,
    %add3A_50 = arith.constant 48 : i32
    %add3A_51 = vector.broadcast %add3A_50 : i32 to vector<16xi32>
    %add3A_52 = arith.addi %add3A_51, %iota3A : vector<16xi32>
    %ge3A_53 = arith.constant 0 : i32
    %ge3A_54 = vector.broadcast %ge3A_53 : i32 to vector<16xi32>
    %ge3A_55 = arith.cmpi sge, %get3A_49, %ge3A_54 : vector<16xi32>
    %lt3A_56 = arith.constant 248 : i32
    %lt3A_57 = vector.broadcast %lt3A_56 : i32 to vector<16xi32>
    %lt3A_58 = arith.cmpi slt, %get3A_49, %lt3A_57 : vector<16xi32>
    %and3A_59 = arith.andi %ge3A_55, %lt3A_58 : vector<16xi1>
    %select_n3A_60 = arith.select %and3A_59, %broadcast_in_dim3A_8, %broadcast_in_dim3A_6 : vector<16xi1>, vector<16xf32>
    tpu.vector_store_idx %arg5[%get3A_49, %add3A_52], %select_n3A_60 : memref<1000x128xf32, #tpu.memory_space<vmem>>[vector<16xi32>, vector<16xi32>], vector<16xf32>,
    %get3A_61 = arith.constant 64 : index
    %get3A_62 = tpu.vector_load %arg4[%get3A_61] {strides = array<i32>} : memref<512xi32, #tpu.memory_space<vmem>>, vector<16xi32>,
    %add3A_63 = arith.constant 64 : i32
    %add3A_64 = vector.broadcast %add3A_63 : i32 to vector<16xi32>
    %add3A_65 = arith.addi %add3A_64, %iota3A : vector<16xi32>
    %ge3A_66 = arith.constant 0 : i32
    %ge3A_67 = vector.broadcast %ge3A_66 : i32 to vector<16xi32>
    %ge3A_68 = arith.cmpi sge, %get3A_62, %ge3A_67 : vector<16xi32>
    %lt3A_69 = arith.constant 248 : i32
    %lt3A_70 = vector.broadcast %lt3A_69 : i32 to vector<16xi32>
    %lt3A_71 = arith.cmpi slt, %get3A_62, %lt3A_70 : vector<16xi32>
    %and3A_72 = arith.andi %ge3A_68, %lt3A_71 : vector<16xi1>
    %select_n3A_73 = arith.select %and3A_72, %broadcast_in_dim3A_8, %broadcast_in_dim3A_6 : vector<16xi1>, vector<16xf32>
    tpu.vector_store_idx %arg5[%get3A_62, %add3A_65], %select_n3A_73 : memref<1000x128xf32, #tpu.memory_space<vmem>>[vector<16xi32>, vector<16xi32>], vector<16xf32>,
    %get3A_74 = arith.constant 80 : index
    %get3A_75 = tpu.vector_load %arg4[%get3A_74] {strides = array<i32>} : memref<512xi32, #tpu.memory_space<vmem>>, vector<16xi32>,
    %add3A_76 = arith.constant 80 : i32
    %add3A_77 = vector.broadcast %add3A_76 : i32 to vector<16xi32>
    %add3A_78 = arith.addi %add3A_77, %iota3A : vector<16xi32>
    %ge3A_79 = arith.constant 0 : i32
    %ge3A_80 = vector.broadcast %ge3A_79 : i32 to vector<16xi32>
    %ge3A_81 = arith.cmpi sge, %get3A_75, %ge3A_80 : vector<16xi32>
    %lt3A_82 = arith.constant 248 : i32
    %lt3A_83 = vector.broadcast %lt3A_82 : i32 to vector<16xi32>
    %lt3A_84 = arith.cmpi slt, %get3A_75, %lt3A_83 : vector<16xi32>
    %and3A_85 = arith.andi %ge3A_81, %lt3A_84 : vector<16xi1>
    %select_n3A_86 = arith.select %and3A_85, %broadcast_in_dim3A_8, %broadcast_in_dim3A_6 : vector<16xi1>, vector<16xf32>
    tpu.vector_store_idx %arg5[%get3A_75, %add3A_78], %select_n3A_86 : memref<1000x128xf32, #tpu.memory_space<vmem>>[vector<16xi32>, vector<16xi32>], vector<16xf32>,
    %get3A_87 = arith.constant 96 : index
    %get3A_88 = tpu.vector_load %arg4[%get3A_87] {strides = array<i32>} : memref<512xi32, #tpu.memory_space<vmem>>, vector<16xi32>,
    %add3A_89 = arith.constant 96 : i32
    %add3A_90 = vector.broadcast %add3A_89 : i32 to vector<16xi32>
    %add3A_91 = arith.addi %add3A_90, %iota3A : vector<16xi32>
    %ge3A_92 = arith.constant 0 : i32
    %ge3A_93 = vector.broadcast %ge3A_92 : i32 to vector<16xi32>
    %ge3A_94 = arith.cmpi sge, %get3A_88, %ge3A_93 : vector<16xi32>
    %lt3A_95 = arith.constant 248 : i32
    %lt3A_96 = vector.broadcast %lt3A_95 : i32 to vector<16xi32>
    %lt3A_97 = arith.cmpi slt, %get3A_88, %lt3A_96 : vector<16xi32>
    %and3A_98 = arith.andi %ge3A_94, %lt3A_97 : vector<16xi1>
    %select_n3A_99 = arith.select %and3A_98, %broadcast_in_dim3A_8, %broadcast_in_dim3A_6 : vector<16xi1>, vector<16xf32>
    tpu.vector_store_idx %arg5[%get3A_88, %add3A_91], %select_n3A_99 : memref<1000x128xf32, #tpu.memory_space<vmem>>[vector<16xi32>, vector<16xi32>], vector<16xf32>,
    %get3A_100 = arith.constant 112 : index
    %get3A_101 = tpu.vector_load %arg4[%get3A_100] {strides = array<i32>} : memref<512xi32, #tpu.memory_space<vmem>>, vector<16xi32>,
    %add3A_102 = arith.constant 112 : i32
    %add3A_103 = vector.broadcast %add3A_102 : i32 to vector<16xi32>
    %add3A_104 = arith.addi %add3A_103, %iota3A : vector<16xi32>
    %ge3A_105 = arith.constant 0 : i32
    %ge3A_106 = vector.broadcast %ge3A_105 : i32 to vector<16xi32>
    %ge3A_107 = arith.cmpi sge, %get3A_101, %ge3A_106 : vector<16xi32>
    %lt3A_108 = arith.constant 248 : i32
    %lt3A_109 = vector.broadcast %lt3A_108 : i32 to vector<16xi32>
    %lt3A_110 = arith.cmpi slt, %get3A_101, %lt3A_109 : vector<16xi32>
    %and3A_111 = arith.andi %ge3A_107, %lt3A_110 : vector<16xi1>
    %select_n3A_112 = arith.select %and3A_111, %broadcast_in_dim3A_8, %broadcast_in_dim3A_6 : vector<16xi1>, vector<16xf32>
    tpu.vector_store_idx %arg5[%get3A_101, %add3A_104], %select_n3A_112 : memref<1000x128xf32, #tpu.memory_space<vmem>>[vector<16xi32>, vector<16xi32>], vector<16xf32>,
    %add3A_113 = arith.constant 0 : i32
    %add3A_114 = arith.addi %mul3A_2, %add3A_113 : i32
    %dma_start3A_115 = arith.constant 0 : i32
    %dma_start3A_116 = arith.constant 0 : i32
    %dma_start3A_117 = tpu.memref_slice %arg5[%dma_start3A_115, %dma_start3A_116] : memref<1000x128xf32, #tpu.memory_space<vmem>> -> memref<248x128xf32, #tpu.memory_space<vmem>>
    %dma_start3A_118 = arith.constant 0 : i32
    %dma_start3A_119 = tpu.memref_slice %arg3[%dma_start3A_118, %add3A_114] : memref<1000x16384xf32, #tpu.memory_space<hbm>> -> memref<248x128xf32, #tpu.memory_space<hbm>>
    %dma_start3A_120 = arith.constant 0 : i32
    %dma_start3A_121 = tpu.memref_slice %arg3[%dma_start3A_120, %add3A_114] : memref<1000x16384xf32, #tpu.memory_space<hbm>> -> memref<248x128xf32, #tpu.memory_space<hbm>>
    %dma_start3A_122 = arith.constant 0 : i32
    %dma_start3A_123 = arith.constant 0 : i32
    %dma_start3A_124 = tpu.memref_slice %arg5[%dma_start3A_122, %dma_start3A_123] : memref<1000x128xf32, #tpu.memory_space<vmem>> -> memref<248x128xf32, #tpu.memory_space<vmem>>
    tpu.enqueue_dma source(%dma_start3A_124 : memref<248x128xf32, #tpu.memory_space<vmem>>) target(%dma_start3A_121 : memref<248x128xf32, #tpu.memory_space<hbm>>) target_semaphore(%arg6 : memref<!tpu.dma_semaphore, #tpu.memory_space<semaphore_mem>>)
    %scan3A_125 = arith.constant 248 : i32
    %scan3A_126 = arith.constant 256 : i32
    %scan3A_127 = arith.addi %scan3A_125, %scan3A_126 : i32
    %scan3A_128 = arith.constant 1 : i32
    scf.for %scan3A_834 = %scan3A_125 to %scan3A_127 step %scan3A_128  : i32 {
      %swap3A = arith.index_cast %scan3A_834 : i32 to index
      %swap3A_835 = arith.constant 0 : index
      %swap3A_836 = tpu.vector_load %arg5[%swap3A, %swap3A_835] {strides = array<i32>} : memref<1000x128xf32, #tpu.memory_space<vmem>>, vector<16xf32>,
      tpu.vector_store %arg5[%swap3A, %swap3A_835], %broadcast_in_dim3A_6 {strides = array<i32>} : memref<1000x128xf32, #tpu.memory_space<vmem>>, vector<16xf32>,
      %swap3A_837 = arith.index_cast %scan3A_834 : i32 to index
      %swap3A_838 = arith.constant 16 : index
      %swap3A_839 = tpu.vector_load %arg5[%swap3A_837, %swap3A_838] {strides = array<i32>} : memref<1000x128xf32, #tpu.memory_space<vmem>>, vector<16xf32>,
      tpu.vector_store %arg5[%swap3A_837, %swap3A_838], %broadcast_in_dim3A_6 {strides = array<i32>} : memref<1000x128xf32, #tpu.memory_space<vmem>>, vector<16xf32>,
      %swap3A_840 = arith.index_cast %scan3A_834 : i32 to index
      %swap3A_841 = arith.constant 32 : index
      %swap3A_842 = tpu.vector_load %arg5[%swap3A_840, %swap3A_841] {strides = array<i32>} : memref<1000x128xf32, #tpu.memory_space<vmem>>, vector<16xf32>,
      tpu.vector_store %arg5[%swap3A_840, %swap3A_841], %broadcast_in_dim3A_6 {strides = array<i32>} : memref<1000x128xf32, #tpu.memory_space<vmem>>, vector<16xf32>,
      %swap3A_843 = arith.index_cast %scan3A_834 : i32 to index
      %swap3A_844 = arith.constant 48 : index
      %swap3A_845 = tpu.vector_load %arg5[%swap3A_843, %swap3A_844] {strides = array<i32>} : memref<1000x128xf32, #tpu.memory_space<vmem>>, vector<16xf32>,
      tpu.vector_store %arg5[%swap3A_843, %swap3A_844], %broadcast_in_dim3A_6 {strides = array<i32>} : memref<1000x128xf32, #tpu.memory_space<vmem>>, vector<16xf32>,
      %swap3A_846 = arith.index_cast %scan3A_834 : i32 to index
      %swap3A_847 = arith.constant 64 : index
      %swap3A_848 = tpu.vector_load %arg5[%swap3A_846, %swap3A_847] {strides = array<i32>} : memref<1000x128xf32, #tpu.memory_space<vmem>>, vector<16xf32>,
      tpu.vector_store %arg5[%swap3A_846, %swap3A_847], %broadcast_in_dim3A_6 {strides = array<i32>} : memref<1000x128xf32, #tpu.memory_space<vmem>>, vector<16xf32>,
      %swap3A_849 = arith.index_cast %scan3A_834 : i32 to index
      %swap3A_850 = arith.constant 80 : index
      %swap3A_851 = tpu.vector_load %arg5[%swap3A_849, %swap3A_850] {strides = array<i32>} : memref<1000x128xf32, #tpu.memory_space<vmem>>, vector<16xf32>,
      tpu.vector_store %arg5[%swap3A_849, %swap3A_850], %broadcast_in_dim3A_6 {strides = array<i32>} : memref<1000x128xf32, #tpu.memory_space<vmem>>, vector<16xf32>,
      %swap3A_852 = arith.index_cast %scan3A_834 : i32 to index
      %swap3A_853 = arith.constant 96 : index
      %swap3A_854 = tpu.vector_load %arg5[%swap3A_852, %swap3A_853] {strides = array<i32>} : memref<1000x128xf32, #tpu.memory_space<vmem>>, vector<16xf32>,
      tpu.vector_store %arg5[%swap3A_852, %swap3A_853], %broadcast_in_dim3A_6 {strides = array<i32>} : memref<1000x128xf32, #tpu.memory_space<vmem>>, vector<16xf32>,
      %swap3A_855 = arith.index_cast %scan3A_834 : i32 to index
      %swap3A_856 = arith.constant 112 : index
      %swap3A_857 = tpu.vector_load %arg5[%swap3A_855, %swap3A_856] {strides = array<i32>} : memref<1000x128xf32, #tpu.memory_space<vmem>>, vector<16xf32>,
      tpu.vector_store %arg5[%swap3A_855, %swap3A_856], %broadcast_in_dim3A_6 {strides = array<i32>} : memref<1000x128xf32, #tpu.memory_space<vmem>>, vector<16xf32>,
    }
    %scan3A_129 = arith.constant 256 : i32
    %dma_wait3A_130 = arith.constant 0 : i32
    %dma_wait3A_131 = arith.constant 0 : i32
    %dma_wait3A_132 = tpu.memref_slice %arg5[%dma_wait3A_130, %dma_wait3A_131] : memref<1000x128xf32, #tpu.memory_space<vmem>> -> memref<248x128xf32, #tpu.memory_space<vmem>>
    %dma_wait3A_133 = arith.constant 0 : i32
    %dma_wait3A_134 = tpu.memref_slice %arg3[%dma_wait3A_133, %add3A_114] : memref<1000x16384xf32, #tpu.memory_space<hbm>> -> memref<248x128xf32, #tpu.memory_space<hbm>>
    %dma_wait3A_135 = arith.constant 0 : i32
    %dma_wait3A_136 = tpu.memref_slice %arg3[%dma_wait3A_135, %add3A_114] : memref<1000x16384xf32, #tpu.memory_space<hbm>> -> memref<248x128xf32, #tpu.memory_space<hbm>>
    %dma_wait3A_137 = arith.constant 0 : i32
    %dma_wait3A_138 = arith.constant 0 : i32
    %dma_wait3A_139 = tpu.memref_slice %arg5[%dma_wait3A_137, %dma_wait3A_138] : memref<1000x128xf32, #tpu.memory_space<vmem>> -> memref<248x128xf32, #tpu.memory_space<vmem>>
    tpu.wait_dma2 semaphore(%arg6 : memref<!tpu.dma_semaphore, #tpu.memory_space<semaphore_mem>>) src(%dma_wait3A_139 : memref<248x128xf32, #tpu.memory_space<vmem>>) dst(%dma_wait3A_136 : memref<248x128xf32, #tpu.memory_space<hbm>>)
    %get3A_140 = arith.constant 0 : index
    %get3A_141 = tpu.vector_load %arg4[%get3A_140] {strides = array<i32>} : memref<512xi32, #tpu.memory_space<vmem>>, vector<16xi32>,
    %add3A_142 = arith.constant 0 : i32
    %add3A_143 = vector.broadcast %add3A_142 : i32 to vector<16xi32>
    %add3A_144 = arith.addi %add3A_143, %iota3A : vector<16xi32>
    %ge3A_145 = arith.constant 248 : i32
    %ge3A_146 = vector.broadcast %ge3A_145 : i32 to vector<16xi32>
    %ge3A_147 = arith.cmpi sge, %get3A_141, %ge3A_146 : vector<16xi32>
    %lt3A_148 = arith.constant 504 : i32
    %lt3A_149 = vector.broadcast %lt3A_148 : i32 to vector<16xi32>
    %lt3A_150 = arith.cmpi slt, %get3A_141, %lt3A_149 : vector<16xi32>
    %and3A_151 = arith.andi %ge3A_147, %lt3A_150 : vector<16xi1>
    %select_n3A_152 = arith.select %and3A_151, %broadcast_in_dim3A_8, %broadcast_in_dim3A_6 : vector<16xi1>, vector<16xf32>
    tpu.vector_store_idx %arg5[%get3A_141, %add3A_144], %select_n3A_152 : memref<1000x128xf32, #tpu.memory_space<vmem>>[vector<16xi32>, vector<16xi32>], vector<16xf32>,
    %get3A_153 = arith.constant 16 : index
    %get3A_154 = tpu.vector_load %arg4[%get3A_153] {strides = array<i32>} : memref<512xi32, #tpu.memory_space<vmem>>, vector<16xi32>,
    %add3A_155 = arith.constant 16 : i32
    %add3A_156 = vector.broadcast %add3A_155 : i32 to vector<16xi32>
    %add3A_157 = arith.addi %add3A_156, %iota3A : vector<16xi32>
    %ge3A_158 = arith.constant 248 : i32
    %ge3A_159 = vector.broadcast %ge3A_158 : i32 to vector<16xi32>
    %ge3A_160 = arith.cmpi sge, %get3A_154, %ge3A_159 : vector<16xi32>
    %lt3A_161 = arith.constant 504 : i32
    %lt3A_162 = vector.broadcast %lt3A_161 : i32 to vector<16xi32>
    %lt3A_163 = arith.cmpi slt, %get3A_154, %lt3A_162 : vector<16xi32>
    %and3A_164 = arith.andi %ge3A_160, %lt3A_163 : vector<16xi1>
    %select_n3A_165 = arith.select %and3A_164, %broadcast_in_dim3A_8, %broadcast_in_dim3A_6 : vector<16xi1>, vector<16xf32>
    tpu.vector_store_idx %arg5[%get3A_154, %add3A_157], %select_n3A_165 : memref<1000x128xf32, #tpu.memory_space<vmem>>[vector<16xi32>, vector<16xi32>], vector<16xf32>,
    %get3A_166 = arith.constant 32 : index
    %get3A_167 = tpu.vector_load %arg4[%get3A_166] {strides = array<i32>} : memref<512xi32, #tpu.memory_space<vmem>>, vector<16xi32>,
    %add3A_168 = arith.constant 32 : i32
    %add3A_169 = vector.broadcast %add3A_168 : i32 to vector<16xi32>
    %add3A_170 = arith.addi %add3A_169, %iota3A : vector<16xi32>
    %ge3A_171 = arith.constant 248 : i32
    %ge3A_172 = vector.broadcast %ge3A_171 : i32 to vector<16xi32>
    %ge3A_173 = arith.cmpi sge, %get3A_167, %ge3A_172 : vector<16xi32>
    %lt3A_174 = arith.constant 504 : i32
    %lt3A_175 = vector.broadcast %lt3A_174 : i32 to vector<16xi32>
    %lt3A_176 = arith.cmpi slt, %get3A_167, %lt3A_175 : vector<16xi32>
    %and3A_177 = arith.andi %ge3A_173, %lt3A_176 : vector<16xi1>
    %select_n3A_178 = arith.select %and3A_177, %broadcast_in_dim3A_8, %broadcast_in_dim3A_6 : vector<16xi1>, vector<16xf32>
    tpu.vector_store_idx %arg5[%get3A_167, %add3A_170], %select_n3A_178 : memref<1000x128xf32, #tpu.memory_space<vmem>>[vector<16xi32>, vector<16xi32>], vector<16xf32>,
    %get3A_179 = arith.constant 48 : index
    %get3A_180 = tpu.vector_load %arg4[%get3A_179] {strides = array<i32>} : memref<512xi32, #tpu.memory_space<vmem>>, vector<16xi32>,
    %add3A_181 = arith.constant 48 : i32
    %add3A_182 = vector.broadcast %add3A_181 : i32 to vector<16xi32>
    %add3A_183 = arith.addi %add3A_182, %iota3A : vector<16xi32>
    %ge3A_184 = arith.constant 248 : i32
    %ge3A_185 = vector.broadcast %ge3A_184 : i32 to vector<16xi32>
    %ge3A_186 = arith.cmpi sge, %get3A_180, %ge3A_185 : vector<16xi32>
    %lt3A_187 = arith.constant 504 : i32
    %lt3A_188 = vector.broadcast %lt3A_187 : i32 to vector<16xi32>
    %lt3A_189 = arith.cmpi slt, %get3A_180, %lt3A_188 : vector<16xi32>
    %and3A_190 = arith.andi %ge3A_186, %lt3A_189 : vector<16xi1>
    %select_n3A_191 = arith.select %and3A_190, %broadcast_in_dim3A_8, %broadcast_in_dim3A_6 : vector<16xi1>, vector<16xf32>
    tpu.vector_store_idx %arg5[%get3A_180, %add3A_183], %select_n3A_191 : memref<1000x128xf32, #tpu.memory_space<vmem>>[vector<16xi32>, vector<16xi32>], vector<16xf32>,
    %get3A_192 = arith.constant 64 : index
    %get3A_193 = tpu.vector_load %arg4[%get3A_192] {strides = array<i32>} : memref<512xi32, #tpu.memory_space<vmem>>, vector<16xi32>,
    %add3A_194 = arith.constant 64 : i32
    %add3A_195 = vector.broadcast %add3A_194 : i32 to vector<16xi32>
    %add3A_196 = arith.addi %add3A_195, %iota3A : vector<16xi32>
    %ge3A_197 = arith.constant 248 : i32
    %ge3A_198 = vector.broadcast %ge3A_197 : i32 to vector<16xi32>
    %ge3A_199 = arith.cmpi sge, %get3A_193, %ge3A_198 : vector<16xi32>
    %lt3A_200 = arith.constant 504 : i32
    %lt3A_201 = vector.broadcast %lt3A_200 : i32 to vector<16xi32>
    %lt3A_202 = arith.cmpi slt, %get3A_193, %lt3A_201 : vector<16xi32>
    %and3A_203 = arith.andi %ge3A_199, %lt3A_202 : vector<16xi1>
    %select_n3A_204 = arith.select %and3A_203, %broadcast_in_dim3A_8, %broadcast_in_dim3A_6 : vector<16xi1>, vector<16xf32>
    tpu.vector_store_idx %arg5[%get3A_193, %add3A_196], %select_n3A_204 : memref<1000x128xf32, #tpu.memory_space<vmem>>[vector<16xi32>, vector<16xi32>], vector<16xf32>,
    %get3A_205 = arith.constant 80 : index
    %get3A_206 = tpu.vector_load %arg4[%get3A_205] {strides = array<i32>} : memref<512xi32, #tpu.memory_space<vmem>>, vector<16xi32>,
    %add3A_207 = arith.constant 80 : i32
    %add3A_208 = vector.broadcast %add3A_207 : i32 to vector<16xi32>
    %add3A_209 = arith.addi %add3A_208, %iota3A : vector<16xi32>
    %ge3A_210 = arith.constant 248 : i32
    %ge3A_211 = vector.broadcast %ge3A_210 : i32 to vector<16xi32>
    %ge3A_212 = arith.cmpi sge, %get3A_206, %ge3A_211 : vector<16xi32>
    %lt3A_213 = arith.constant 504 : i32
    %lt3A_214 = vector.broadcast %lt3A_213 : i32 to vector<16xi32>
    %lt3A_215 = arith.cmpi slt, %get3A_206, %lt3A_214 : vector<16xi32>
    %and3A_216 = arith.andi %ge3A_212, %lt3A_215 : vector<16xi1>
    %select_n3A_217 = arith.select %and3A_216, %broadcast_in_dim3A_8, %broadcast_in_dim3A_6 : vector<16xi1>, vector<16xf32>
    tpu.vector_store_idx %arg5[%get3A_206, %add3A_209], %select_n3A_217 : memref<1000x128xf32, #tpu.memory_space<vmem>>[vector<16xi32>, vector<16xi32>], vector<16xf32>,
    %get3A_218 = arith.constant 96 : index
    %get3A_219 = tpu.vector_load %arg4[%get3A_218] {strides = array<i32>} : memref<512xi32, #tpu.memory_space<vmem>>, vector<16xi32>,
    %add3A_220 = arith.constant 96 : i32
    %add3A_221 = vector.broadcast %add3A_220 : i32 to vector<16xi32>
    %add3A_222 = arith.addi %add3A_221, %iota3A : vector<16xi32>
    %ge3A_223 = arith.constant 248 : i32
    %ge3A_224 = vector.broadcast %ge3A_223 : i32 to vector<16xi32>
    %ge3A_225 = arith.cmpi sge, %get3A_219, %ge3A_224 : vector<16xi32>
    %lt3A_226 = arith.constant 504 : i32
    %lt3A_227 = vector.broadcast %lt3A_226 : i32 to vector<16xi32>
    %lt3A_228 = arith.cmpi slt, %get3A_219, %lt3A_227 : vector<16xi32>
    %and3A_229 = arith.andi %ge3A_225, %lt3A_228 : vector<16xi1>
    %select_n3A_230 = arith.select %and3A_229, %broadcast_in_dim3A_8, %broadcast_in_dim3A_6 : vector<16xi1>, vector<16xf32>
    tpu.vector_store_idx %arg5[%get3A_219, %add3A_222], %select_n3A_230 : memref<1000x128xf32, #tpu.memory_space<vmem>>[vector<16xi32>, vector<16xi32>], vector<16xf32>,
    %get3A_231 = arith.constant 112 : index
    %get3A_232 = tpu.vector_load %arg4[%get3A_231] {strides = array<i32>} : memref<512xi32, #tpu.memory_space<vmem>>, vector<16xi32>,
    %add3A_233 = arith.constant 112 : i32
    %add3A_234 = vector.broadcast %add3A_233 : i32 to vector<16xi32>
    %add3A_235 = arith.addi %add3A_234, %iota3A : vector<16xi32>
    %ge3A_236 = arith.constant 248 : i32
    %ge3A_237 = vector.broadcast %ge3A_236 : i32 to vector<16xi32>
    %ge3A_238 = arith.cmpi sge, %get3A_232, %ge3A_237 : vector<16xi32>
    %lt3A_239 = arith.constant 504 : i32
    %lt3A_240 = vector.broadcast %lt3A_239 : i32 to vector<16xi32>
    %lt3A_241 = arith.cmpi slt, %get3A_232, %lt3A_240 : vector<16xi32>
    %and3A_242 = arith.andi %ge3A_238, %lt3A_241 : vector<16xi1>
    %select_n3A_243 = arith.select %and3A_242, %broadcast_in_dim3A_8, %broadcast_in_dim3A_6 : vector<16xi1>, vector<16xf32>
    tpu.vector_store_idx %arg5[%get3A_232, %add3A_235], %select_n3A_243 : memref<1000x128xf32, #tpu.memory_space<vmem>>[vector<16xi32>, vector<16xi32>], vector<16xf32>,
    %add3A_244 = arith.constant 0 : i32
    %add3A_245 = arith.addi %mul3A_2, %add3A_244 : i32
    %dma_start3A_246 = arith.constant 248 : i32
    %dma_start3A_247 = arith.constant 0 : i32
    %dma_start3A_248 = tpu.memref_slice %arg5[%dma_start3A_246, %dma_start3A_247] : memref<1000x128xf32, #tpu.memory_space<vmem>> -> memref<256x128xf32, #tpu.memory_space<vmem>>
    %dma_start3A_249 = arith.constant 248 : i32
    %dma_start3A_250 = tpu.memref_slice %arg3[%dma_start3A_249, %add3A_245] : memref<1000x16384xf32, #tpu.memory_space<hbm>> -> memref<256x128xf32, #tpu.memory_space<hbm>>
    %dma_start3A_251 = arith.constant 248 : i32
    %dma_start3A_252 = tpu.memref_slice %arg3[%dma_start3A_251, %add3A_245] : memref<1000x16384xf32, #tpu.memory_space<hbm>> -> memref<256x128xf32, #tpu.memory_space<hbm>>
    %dma_start3A_253 = arith.constant 248 : i32
    %dma_start3A_254 = arith.constant 0 : i32
    %dma_start3A_255 = tpu.memref_slice %arg5[%dma_start3A_253, %dma_start3A_254] : memref<1000x128xf32, #tpu.memory_space<vmem>> -> memref<256x128xf32, #tpu.memory_space<vmem>>
    tpu.enqueue_dma source(%dma_start3A_255 : memref<256x128xf32, #tpu.memory_space<vmem>>) target(%dma_start3A_252 : memref<256x128xf32, #tpu.memory_space<hbm>>) target_semaphore(%arg6 : memref<!tpu.dma_semaphore, #tpu.memory_space<semaphore_mem>>)
    %scan3A_256 = arith.constant 504 : i32
    %scan3A_257 = arith.constant 248 : i32
    %scan3A_258 = arith.addi %scan3A_256, %scan3A_257 : i32
    %scan3A_259 = arith.constant 1 : i32
    scf.for %scan3A_834 = %scan3A_256 to %scan3A_258 step %scan3A_259  : i32 {
      %swap3A = arith.index_cast %scan3A_834 : i32 to index
      %swap3A_835 = arith.constant 0 : index
      %swap3A_836 = tpu.vector_load %arg5[%swap3A, %swap3A_835] {strides = array<i32>} : memref<1000x128xf32, #tpu.memory_space<vmem>>, vector<16xf32>,
      tpu.vector_store %arg5[%swap3A, %swap3A_835], %broadcast_in_dim3A_6 {strides = array<i32>} : memref<1000x128xf32, #tpu.memory_space<vmem>>, vector<16xf32>,
      %swap3A_837 = arith.index_cast %scan3A_834 : i32 to index
      %swap3A_838 = arith.constant 16 : index
      %swap3A_839 = tpu.vector_load %arg5[%swap3A_837, %swap3A_838] {strides = array<i32>} : memref<1000x128xf32, #tpu.memory_space<vmem>>, vector<16xf32>,
      tpu.vector_store %arg5[%swap3A_837, %swap3A_838], %broadcast_in_dim3A_6 {strides = array<i32>} : memref<1000x128xf32, #tpu.memory_space<vmem>>, vector<16xf32>,
      %swap3A_840 = arith.index_cast %scan3A_834 : i32 to index
      %swap3A_841 = arith.constant 32 : index
      %swap3A_842 = tpu.vector_load %arg5[%swap3A_840, %swap3A_841] {strides = array<i32>} : memref<1000x128xf32, #tpu.memory_space<vmem>>, vector<16xf32>,
      tpu.vector_store %arg5[%swap3A_840, %swap3A_841], %broadcast_in_dim3A_6 {strides = array<i32>} : memref<1000x128xf32, #tpu.memory_space<vmem>>, vector<16xf32>,
      %swap3A_843 = arith.index_cast %scan3A_834 : i32 to index
      %swap3A_844 = arith.constant 48 : index
      %swap3A_845 = tpu.vector_load %arg5[%swap3A_843, %swap3A_844] {strides = array<i32>} : memref<1000x128xf32, #tpu.memory_space<vmem>>, vector<16xf32>,
      tpu.vector_store %arg5[%swap3A_843, %swap3A_844], %broadcast_in_dim3A_6 {strides = array<i32>} : memref<1000x128xf32, #tpu.memory_space<vmem>>, vector<16xf32>,
      %swap3A_846 = arith.index_cast %scan3A_834 : i32 to index
      %swap3A_847 = arith.constant 64 : index
      %swap3A_848 = tpu.vector_load %arg5[%swap3A_846, %swap3A_847] {strides = array<i32>} : memref<1000x128xf32, #tpu.memory_space<vmem>>, vector<16xf32>,
      tpu.vector_store %arg5[%swap3A_846, %swap3A_847], %broadcast_in_dim3A_6 {strides = array<i32>} : memref<1000x128xf32, #tpu.memory_space<vmem>>, vector<16xf32>,
      %swap3A_849 = arith.index_cast %scan3A_834 : i32 to index
      %swap3A_850 = arith.constant 80 : index
      %swap3A_851 = tpu.vector_load %arg5[%swap3A_849, %swap3A_850] {strides = array<i32>} : memref<1000x128xf32, #tpu.memory_space<vmem>>, vector<16xf32>,
      tpu.vector_store %arg5[%swap3A_849, %swap3A_850], %broadcast_in_dim3A_6 {strides = array<i32>} : memref<1000x128xf32, #tpu.memory_space<vmem>>, vector<16xf32>,
      %swap3A_852 = arith.index_cast %scan3A_834 : i32 to index
      %swap3A_853 = arith.constant 96 : index
      %swap3A_854 = tpu.vector_load %arg5[%swap3A_852, %swap3A_853] {strides = array<i32>} : memref<1000x128xf32, #tpu.memory_space<vmem>>, vector<16xf32>,
      tpu.vector_store %arg5[%swap3A_852, %swap3A_853], %broadcast_in_dim3A_6 {strides = array<i32>} : memref<1000x128xf32, #tpu.memory_space<vmem>>, vector<16xf32>,
      %swap3A_855 = arith.index_cast %scan3A_834 : i32 to index
      %swap3A_856 = arith.constant 112 : index
      %swap3A_857 = tpu.vector_load %arg5[%swap3A_855, %swap3A_856] {strides = array<i32>} : memref<1000x128xf32, #tpu.memory_space<vmem>>, vector<16xf32>,
      tpu.vector_store %arg5[%swap3A_855, %swap3A_856], %broadcast_in_dim3A_6 {strides = array<i32>} : memref<1000x128xf32, #tpu.memory_space<vmem>>, vector<16xf32>,
    }
    %scan3A_260 = arith.constant 248 : i32
    %dma_wait3A_261 = arith.constant 248 : i32
    %dma_wait3A_262 = arith.constant 0 : i32
    %dma_wait3A_263 = tpu.memref_slice %arg5[%dma_wait3A_261, %dma_wait3A_262] : memref<1000x128xf32, #tpu.memory_space<vmem>> -> memref<256x128xf32, #tpu.memory_space<vmem>>
    %dma_wait3A_264 = arith.constant 248 : i32
    %dma_wait3A_265 = tpu.memref_slice %arg3[%dma_wait3A_264, %add3A_245] : memref<1000x16384xf32, #tpu.memory_space<hbm>> -> memref<256x128xf32, #tpu.memory_space<hbm>>
    %dma_wait3A_266 = arith.constant 248 : i32
    %dma_wait3A_267 = tpu.memref_slice %arg3[%dma_wait3A_266, %add3A_245] : memref<1000x16384xf32, #tpu.memory_space<hbm>> -> memref<256x128xf32, #tpu.memory_space<hbm>>
    %dma_wait3A_268 = arith.constant 248 : i32
    %dma_wait3A_269 = arith.constant 0 : i32
    %dma_wait3A_270 = tpu.memref_slice %arg5[%dma_wait3A_268, %dma_wait3A_269] : memref<1000x128xf32, #tpu.memory_space<vmem>> -> memref<256x128xf32, #tpu.memory_space<vmem>>
    tpu.wait_dma2 semaphore(%arg6 : memref<!tpu.dma_semaphore, #tpu.memory_space<semaphore_mem>>) src(%dma_wait3A_270 : memref<256x128xf32, #tpu.memory_space<vmem>>) dst(%dma_wait3A_267 : memref<256x128xf32, #tpu.memory_space<hbm>>)
    %get3A_271 = arith.constant 0 : index
    %get3A_272 = tpu.vector_load %arg4[%get3A_271] {strides = array<i32>} : memref<512xi32, #tpu.memory_space<vmem>>, vector<16xi32>,
    %add3A_273 = arith.constant 0 : i32
    %add3A_274 = vector.broadcast %add3A_273 : i32 to vector<16xi32>
    %add3A_275 = arith.addi %add3A_274, %iota3A : vector<16xi32>
    %ge3A_276 = arith.constant 504 : i32
    %ge3A_277 = vector.broadcast %ge3A_276 : i32 to vector<16xi32>
    %ge3A_278 = arith.cmpi sge, %get3A_272, %ge3A_277 : vector<16xi32>
    %lt3A_279 = arith.constant 752 : i32
    %lt3A_280 = vector.broadcast %lt3A_279 : i32 to vector<16xi32>
    %lt3A_281 = arith.cmpi slt, %get3A_272, %lt3A_280 : vector<16xi32>
    %and3A_282 = arith.andi %ge3A_278, %lt3A_281 : vector<16xi1>
    %select_n3A_283 = arith.select %and3A_282, %broadcast_in_dim3A_8, %broadcast_in_dim3A_6 : vector<16xi1>, vector<16xf32>
    tpu.vector_store_idx %arg5[%get3A_272, %add3A_275], %select_n3A_283 : memref<1000x128xf32, #tpu.memory_space<vmem>>[vector<16xi32>, vector<16xi32>], vector<16xf32>,
    %get3A_284 = arith.constant 16 : index
    %get3A_285 = tpu.vector_load %arg4[%get3A_284] {strides = array<i32>} : memref<512xi32, #tpu.memory_space<vmem>>, vector<16xi32>,
    %add3A_286 = arith.constant 16 : i32
    %add3A_287 = vector.broadcast %add3A_286 : i32 to vector<16xi32>
    %add3A_288 = arith.addi %add3A_287, %iota3A : vector<16xi32>
    %ge3A_289 = arith.constant 504 : i32
    %ge3A_290 = vector.broadcast %ge3A_289 : i32 to vector<16xi32>
    %ge3A_291 = arith.cmpi sge, %get3A_285, %ge3A_290 : vector<16xi32>
    %lt3A_292 = arith.constant 752 : i32
    %lt3A_293 = vector.broadcast %lt3A_292 : i32 to vector<16xi32>
    %lt3A_294 = arith.cmpi slt, %get3A_285, %lt3A_293 : vector<16xi32>
    %and3A_295 = arith.andi %ge3A_291, %lt3A_294 : vector<16xi1>
    %select_n3A_296 = arith.select %and3A_295, %broadcast_in_dim3A_8, %broadcast_in_dim3A_6 : vector<16xi1>, vector<16xf32>
    tpu.vector_store_idx %arg5[%get3A_285, %add3A_288], %select_n3A_296 : memref<1000x128xf32, #tpu.memory_space<vmem>>[vector<16xi32>, vector<16xi32>], vector<16xf32>,
    %get3A_297 = arith.constant 32 : index
    %get3A_298 = tpu.vector_load %arg4[%get3A_297] {strides = array<i32>} : memref<512xi32, #tpu.memory_space<vmem>>, vector<16xi32>,
    %add3A_299 = arith.constant 32 : i32
    %add3A_300 = vector.broadcast %add3A_299 : i32 to vector<16xi32>
    %add3A_301 = arith.addi %add3A_300, %iota3A : vector<16xi32>
    %ge3A_302 = arith.constant 504 : i32
    %ge3A_303 = vector.broadcast %ge3A_302 : i32 to vector<16xi32>
    %ge3A_304 = arith.cmpi sge, %get3A_298, %ge3A_303 : vector<16xi32>
    %lt3A_305 = arith.constant 752 : i32
    %lt3A_306 = vector.broadcast %lt3A_305 : i32 to vector<16xi32>
    %lt3A_307 = arith.cmpi slt, %get3A_298, %lt3A_306 : vector<16xi32>
    %and3A_308 = arith.andi %ge3A_304, %lt3A_307 : vector<16xi1>
    %select_n3A_309 = arith.select %and3A_308, %broadcast_in_dim3A_8, %broadcast_in_dim3A_6 : vector<16xi1>, vector<16xf32>
    tpu.vector_store_idx %arg5[%get3A_298, %add3A_301], %select_n3A_309 : memref<1000x128xf32, #tpu.memory_space<vmem>>[vector<16xi32>, vector<16xi32>], vector<16xf32>,
    %get3A_310 = arith.constant 48 : index
    %get3A_311 = tpu.vector_load %arg4[%get3A_310] {strides = array<i32>} : memref<512xi32, #tpu.memory_space<vmem>>, vector<16xi32>,
    %add3A_312 = arith.constant 48 : i32
    %add3A_313 = vector.broadcast %add3A_312 : i32 to vector<16xi32>
    %add3A_314 = arith.addi %add3A_313, %iota3A : vector<16xi32>
    %ge3A_315 = arith.constant 504 : i32
    %ge3A_316 = vector.broadcast %ge3A_315 : i32 to vector<16xi32>
    %ge3A_317 = arith.cmpi sge, %get3A_311, %ge3A_316 : vector<16xi32>
    %lt3A_318 = arith.constant 752 : i32
    %lt3A_319 = vector.broadcast %lt3A_318 : i32 to vector<16xi32>
    %lt3A_320 = arith.cmpi slt, %get3A_311, %lt3A_319 : vector<16xi32>
    %and3A_321 = arith.andi %ge3A_317, %lt3A_320 : vector<16xi1>
    %select_n3A_322 = arith.select %and3A_321, %broadcast_in_dim3A_8, %broadcast_in_dim3A_6 : vector<16xi1>, vector<16xf32>
    tpu.vector_store_idx %arg5[%get3A_311, %add3A_314], %select_n3A_322 : memref<1000x128xf32, #tpu.memory_space<vmem>>[vector<16xi32>, vector<16xi32>], vector<16xf32>,
    %get3A_323 = arith.constant 64 : index
    %get3A_324 = tpu.vector_load %arg4[%get3A_323] {strides = array<i32>} : memref<512xi32, #tpu.memory_space<vmem>>, vector<16xi32>,
    %add3A_325 = arith.constant 64 : i32
    %add3A_326 = vector.broadcast %add3A_325 : i32 to vector<16xi32>
    %add3A_327 = arith.addi %add3A_326, %iota3A : vector<16xi32>
    %ge3A_328 = arith.constant 504 : i32
    %ge3A_329 = vector.broadcast %ge3A_328 : i32 to vector<16xi32>
    %ge3A_330 = arith.cmpi sge, %get3A_324, %ge3A_329 : vector<16xi32>
    %lt3A_331 = arith.constant 752 : i32
    %lt3A_332 = vector.broadcast %lt3A_331 : i32 to vector<16xi32>
    %lt3A_333 = arith.cmpi slt, %get3A_324, %lt3A_332 : vector<16xi32>
    %and3A_334 = arith.andi %ge3A_330, %lt3A_333 : vector<16xi1>
    %select_n3A_335 = arith.select %and3A_334, %broadcast_in_dim3A_8, %broadcast_in_dim3A_6 : vector<16xi1>, vector<16xf32>
    tpu.vector_store_idx %arg5[%get3A_324, %add3A_327], %select_n3A_335 : memref<1000x128xf32, #tpu.memory_space<vmem>>[vector<16xi32>, vector<16xi32>], vector<16xf32>,
    %get3A_336 = arith.constant 80 : index
    %get3A_337 = tpu.vector_load %arg4[%get3A_336] {strides = array<i32>} : memref<512xi32, #tpu.memory_space<vmem>>, vector<16xi32>,
    %add3A_338 = arith.constant 80 : i32
    %add3A_339 = vector.broadcast %add3A_338 : i32 to vector<16xi32>
    %add3A_340 = arith.addi %add3A_339, %iota3A : vector<16xi32>
    %ge3A_341 = arith.constant 504 : i32
    %ge3A_342 = vector.broadcast %ge3A_341 : i32 to vector<16xi32>
    %ge3A_343 = arith.cmpi sge, %get3A_337, %ge3A_342 : vector<16xi32>
    %lt3A_344 = arith.constant 752 : i32
    %lt3A_345 = vector.broadcast %lt3A_344 : i32 to vector<16xi32>
    %lt3A_346 = arith.cmpi slt, %get3A_337, %lt3A_345 : vector<16xi32>
    %and3A_347 = arith.andi %ge3A_343, %lt3A_346 : vector<16xi1>
    %select_n3A_348 = arith.select %and3A_347, %broadcast_in_dim3A_8, %broadcast_in_dim3A_6 : vector<16xi1>, vector<16xf32>
    tpu.vector_store_idx %arg5[%get3A_337, %add3A_340], %select_n3A_348 : memref<1000x128xf32, #tpu.memory_space<vmem>>[vector<16xi32>, vector<16xi32>], vector<16xf32>,
    %get3A_349 = arith.constant 96 : index
    %get3A_350 = tpu.vector_load %arg4[%get3A_349] {strides = array<i32>} : memref<512xi32, #tpu.memory_space<vmem>>, vector<16xi32>,
    %add3A_351 = arith.constant 96 : i32
    %add3A_352 = vector.broadcast %add3A_351 : i32 to vector<16xi32>
    %add3A_353 = arith.addi %add3A_352, %iota3A : vector<16xi32>
    %ge3A_354 = arith.constant 504 : i32
    %ge3A_355 = vector.broadcast %ge3A_354 : i32 to vector<16xi32>
    %ge3A_356 = arith.cmpi sge, %get3A_350, %ge3A_355 : vector<16xi32>
    %lt3A_357 = arith.constant 752 : i32
    %lt3A_358 = vector.broadcast %lt3A_357 : i32 to vector<16xi32>
    %lt3A_359 = arith.cmpi slt, %get3A_350, %lt3A_358 : vector<16xi32>
    %and3A_360 = arith.andi %ge3A_356, %lt3A_359 : vector<16xi1>
    %select_n3A_361 = arith.select %and3A_360, %broadcast_in_dim3A_8, %broadcast_in_dim3A_6 : vector<16xi1>, vector<16xf32>
    tpu.vector_store_idx %arg5[%get3A_350, %add3A_353], %select_n3A_361 : memref<1000x128xf32, #tpu.memory_space<vmem>>[vector<16xi32>, vector<16xi32>], vector<16xf32>,
    %get3A_362 = arith.constant 112 : index
    %get3A_363 = tpu.vector_load %arg4[%get3A_362] {strides = array<i32>} : memref<512xi32, #tpu.memory_space<vmem>>, vector<16xi32>,
    %add3A_364 = arith.constant 112 : i32
    %add3A_365 = vector.broadcast %add3A_364 : i32 to vector<16xi32>
    %add3A_366 = arith.addi %add3A_365, %iota3A : vector<16xi32>
    %ge3A_367 = arith.constant 504 : i32
    %ge3A_368 = vector.broadcast %ge3A_367 : i32 to vector<16xi32>
    %ge3A_369 = arith.cmpi sge, %get3A_363, %ge3A_368 : vector<16xi32>
    %lt3A_370 = arith.constant 752 : i32
    %lt3A_371 = vector.broadcast %lt3A_370 : i32 to vector<16xi32>
    %lt3A_372 = arith.cmpi slt, %get3A_363, %lt3A_371 : vector<16xi32>
    %and3A_373 = arith.andi %ge3A_369, %lt3A_372 : vector<16xi1>
    %select_n3A_374 = arith.select %and3A_373, %broadcast_in_dim3A_8, %broadcast_in_dim3A_6 : vector<16xi1>, vector<16xf32>
    tpu.vector_store_idx %arg5[%get3A_363, %add3A_366], %select_n3A_374 : memref<1000x128xf32, #tpu.memory_space<vmem>>[vector<16xi32>, vector<16xi32>], vector<16xf32>,
    %add3A_375 = arith.constant 0 : i32
    %add3A_376 = arith.addi %mul3A_2, %add3A_375 : i32
    %dma_start3A_377 = arith.constant 504 : i32
    %dma_start3A_378 = arith.constant 0 : i32
    %dma_start3A_379 = tpu.memref_slice %arg5[%dma_start3A_377, %dma_start3A_378] : memref<1000x128xf32, #tpu.memory_space<vmem>> -> memref<248x128xf32, #tpu.memory_space<vmem>>
    %dma_start3A_380 = arith.constant 504 : i32
    %dma_start3A_381 = tpu.memref_slice %arg3[%dma_start3A_380, %add3A_376] : memref<1000x16384xf32, #tpu.memory_space<hbm>> -> memref<248x128xf32, #tpu.memory_space<hbm>>
    %dma_start3A_382 = arith.constant 504 : i32
    %dma_start3A_383 = tpu.memref_slice %arg3[%dma_start3A_382, %add3A_376] : memref<1000x16384xf32, #tpu.memory_space<hbm>> -> memref<248x128xf32, #tpu.memory_space<hbm>>
    %dma_start3A_384 = arith.constant 504 : i32
    %dma_start3A_385 = arith.constant 0 : i32
    %dma_start3A_386 = tpu.memref_slice %arg5[%dma_start3A_384, %dma_start3A_385] : memref<1000x128xf32, #tpu.memory_space<vmem>> -> memref<248x128xf32, #tpu.memory_space<vmem>>
    tpu.enqueue_dma source(%dma_start3A_386 : memref<248x128xf32, #tpu.memory_space<vmem>>) target(%dma_start3A_383 : memref<248x128xf32, #tpu.memory_space<hbm>>) target_semaphore(%arg6 : memref<!tpu.dma_semaphore, #tpu.memory_space<semaphore_mem>>)
    %scan3A_387 = arith.constant 752 : i32
    %scan3A_388 = arith.constant 248 : i32
    %scan3A_389 = arith.addi %scan3A_387, %scan3A_388 : i32
    %scan3A_390 = arith.constant 1 : i32
    scf.for %scan3A_834 = %scan3A_387 to %scan3A_389 step %scan3A_390  : i32 {
      %swap3A = arith.index_cast %scan3A_834 : i32 to index
      %swap3A_835 = arith.constant 0 : index
      %swap3A_836 = tpu.vector_load %arg5[%swap3A, %swap3A_835] {strides = array<i32>} : memref<1000x128xf32, #tpu.memory_space<vmem>>, vector<16xf32>,
      tpu.vector_store %arg5[%swap3A, %swap3A_835], %broadcast_in_dim3A_6 {strides = array<i32>} : memref<1000x128xf32, #tpu.memory_space<vmem>>, vector<16xf32>,
      %swap3A_837 = arith.index_cast %scan3A_834 : i32 to index
      %swap3A_838 = arith.constant 16 : index
      %swap3A_839 = tpu.vector_load %arg5[%swap3A_837, %swap3A_838] {strides = array<i32>} : memref<1000x128xf32, #tpu.memory_space<vmem>>, vector<16xf32>,
      tpu.vector_store %arg5[%swap3A_837, %swap3A_838], %broadcast_in_dim3A_6 {strides = array<i32>} : memref<1000x128xf32, #tpu.memory_space<vmem>>, vector<16xf32>,
      %swap3A_840 = arith.index_cast %scan3A_834 : i32 to index
      %swap3A_841 = arith.constant 32 : index
      %swap3A_842 = tpu.vector_load %arg5[%swap3A_840, %swap3A_841] {strides = array<i32>} : memref<1000x128xf32, #tpu.memory_space<vmem>>, vector<16xf32>,
      tpu.vector_store %arg5[%swap3A_840, %swap3A_841], %broadcast_in_dim3A_6 {strides = array<i32>} : memref<1000x128xf32, #tpu.memory_space<vmem>>, vector<16xf32>,
      %swap3A_843 = arith.index_cast %scan3A_834 : i32 to index
      %swap3A_844 = arith.constant 48 : index
      %swap3A_845 = tpu.vector_load %arg5[%swap3A_843, %swap3A_844] {strides = array<i32>} : memref<1000x128xf32, #tpu.memory_space<vmem>>, vector<16xf32>,
      tpu.vector_store %arg5[%swap3A_843, %swap3A_844], %broadcast_in_dim3A_6 {strides = array<i32>} : memref<1000x128xf32, #tpu.memory_space<vmem>>, vector<16xf32>,
      %swap3A_846 = arith.index_cast %scan3A_834 : i32 to index
      %swap3A_847 = arith.constant 64 : index
      %swap3A_848 = tpu.vector_load %arg5[%swap3A_846, %swap3A_847] {strides = array<i32>} : memref<1000x128xf32, #tpu.memory_space<vmem>>, vector<16xf32>,
      tpu.vector_store %arg5[%swap3A_846, %swap3A_847], %broadcast_in_dim3A_6 {strides = array<i32>} : memref<1000x128xf32, #tpu.memory_space<vmem>>, vector<16xf32>,
      %swap3A_849 = arith.index_cast %scan3A_834 : i32 to index
      %swap3A_850 = arith.constant 80 : index
      %swap3A_851 = tpu.vector_load %arg5[%swap3A_849, %swap3A_850] {strides = array<i32>} : memref<1000x128xf32, #tpu.memory_space<vmem>>, vector<16xf32>,
      tpu.vector_store %arg5[%swap3A_849, %swap3A_850], %broadcast_in_dim3A_6 {strides = array<i32>} : memref<1000x128xf32, #tpu.memory_space<vmem>>, vector<16xf32>,
      %swap3A_852 = arith.index_cast %scan3A_834 : i32 to index
      %swap3A_853 = arith.constant 96 : index
      %swap3A_854 = tpu.vector_load %arg5[%swap3A_852, %swap3A_853] {strides = array<i32>} : memref<1000x128xf32, #tpu.memory_space<vmem>>, vector<16xf32>,
      tpu.vector_store %arg5[%swap3A_852, %swap3A_853], %broadcast_in_dim3A_6 {strides = array<i32>} : memref<1000x128xf32, #tpu.memory_space<vmem>>, vector<16xf32>,
      %swap3A_855 = arith.index_cast %scan3A_834 : i32 to index
      %swap3A_856 = arith.constant 112 : index
      %swap3A_857 = tpu.vector_load %arg5[%swap3A_855, %swap3A_856] {strides = array<i32>} : memref<1000x128xf32, #tpu.memory_space<vmem>>, vector<16xf32>,
      tpu.vector_store %arg5[%swap3A_855, %swap3A_856], %broadcast_in_dim3A_6 {strides = array<i32>} : memref<1000x128xf32, #tpu.memory_space<vmem>>, vector<16xf32>,
    }
    %scan3A_391 = arith.constant 248 : i32
    %dma_wait3A_392 = arith.constant 504 : i32
    %dma_wait3A_393 = arith.constant 0 : i32
    %dma_wait3A_394 = tpu.memref_slice %arg5[%dma_wait3A_392, %dma_wait3A_393] : memref<1000x128xf32, #tpu.memory_space<vmem>> -> memref<248x128xf32, #tpu.memory_space<vmem>>
    %dma_wait3A_395 = arith.constant 504 : i32
    %dma_wait3A_396 = tpu.memref_slice %arg3[%dma_wait3A_395, %add3A_376] : memref<1000x16384xf32, #tpu.memory_space<hbm>> -> memref<248x128xf32, #tpu.memory_space<hbm>>
    %dma_wait3A_397 = arith.constant 504 : i32
    %dma_wait3A_398 = tpu.memref_slice %arg3[%dma_wait3A_397, %add3A_376] : memref<1000x16384xf32, #tpu.memory_space<hbm>> -> memref<248x128xf32, #tpu.memory_space<hbm>>
    %dma_wait3A_399 = arith.constant 504 : i32
    %dma_wait3A_400 = arith.constant 0 : i32
    %dma_wait3A_401 = tpu.memref_slice %arg5[%dma_wait3A_399, %dma_wait3A_400] : memref<1000x128xf32, #tpu.memory_space<vmem>> -> memref<248x128xf32, #tpu.memory_space<vmem>>
    tpu.wait_dma2 semaphore(%arg6 : memref<!tpu.dma_semaphore, #tpu.memory_space<semaphore_mem>>) src(%dma_wait3A_401 : memref<248x128xf32, #tpu.memory_space<vmem>>) dst(%dma_wait3A_398 : memref<248x128xf32, #tpu.memory_space<hbm>>)
    %get3A_402 = arith.constant 0 : index
    %get3A_403 = tpu.vector_load %arg4[%get3A_402] {strides = array<i32>} : memref<512xi32, #tpu.memory_space<vmem>>, vector<16xi32>,
    %add3A_404 = arith.constant 0 : i32
    %add3A_405 = vector.broadcast %add3A_404 : i32 to vector<16xi32>
    %add3A_406 = arith.addi %add3A_405, %iota3A : vector<16xi32>
    %ge3A_407 = arith.constant 752 : i32
    %ge3A_408 = vector.broadcast %ge3A_407 : i32 to vector<16xi32>
    %ge3A_409 = arith.cmpi sge, %get3A_403, %ge3A_408 : vector<16xi32>
    %lt3A_410 = arith.constant 1000 : i32
    %lt3A_411 = vector.broadcast %lt3A_410 : i32 to vector<16xi32>
    %lt3A_412 = arith.cmpi slt, %get3A_403, %lt3A_411 : vector<16xi32>
    %and3A_413 = arith.andi %ge3A_409, %lt3A_412 : vector<16xi1>
    %select_n3A_414 = arith.select %and3A_413, %broadcast_in_dim3A_8, %broadcast_in_dim3A_6 : vector<16xi1>, vector<16xf32>
    tpu.vector_store_idx %arg5[%get3A_403, %add3A_406], %select_n3A_414 : memref<1000x128xf32, #tpu.memory_space<vmem>>[vector<16xi32>, vector<16xi32>], vector<16xf32>,
    %get3A_415 = arith.constant 16 : index
    %get3A_416 = tpu.vector_load %arg4[%get3A_415] {strides = array<i32>} : memref<512xi32, #tpu.memory_space<vmem>>, vector<16xi32>,
    %add3A_417 = arith.constant 16 : i32
    %add3A_418 = vector.broadcast %add3A_417 : i32 to vector<16xi32>
    %add3A_419 = arith.addi %add3A_418, %iota3A : vector<16xi32>
    %ge3A_420 = arith.constant 752 : i32
    %ge3A_421 = vector.broadcast %ge3A_420 : i32 to vector<16xi32>
    %ge3A_422 = arith.cmpi sge, %get3A_416, %ge3A_421 : vector<16xi32>
    %lt3A_423 = arith.constant 1000 : i32
    %lt3A_424 = vector.broadcast %lt3A_423 : i32 to vector<16xi32>
    %lt3A_425 = arith.cmpi slt, %get3A_416, %lt3A_424 : vector<16xi32>
    %and3A_426 = arith.andi %ge3A_422, %lt3A_425 : vector<16xi1>
    %select_n3A_427 = arith.select %and3A_426, %broadcast_in_dim3A_8, %broadcast_in_dim3A_6 : vector<16xi1>, vector<16xf32>
    tpu.vector_store_idx %arg5[%get3A_416, %add3A_419], %select_n3A_427 : memref<1000x128xf32, #tpu.memory_space<vmem>>[vector<16xi32>, vector<16xi32>], vector<16xf32>,
    %get3A_428 = arith.constant 32 : index
    %get3A_429 = tpu.vector_load %arg4[%get3A_428] {strides = array<i32>} : memref<512xi32, #tpu.memory_space<vmem>>, vector<16xi32>,
    %add3A_430 = arith.constant 32 : i32
    %add3A_431 = vector.broadcast %add3A_430 : i32 to vector<16xi32>
    %add3A_432 = arith.addi %add3A_431, %iota3A : vector<16xi32>
    %ge3A_433 = arith.constant 752 : i32
    %ge3A_434 = vector.broadcast %ge3A_433 : i32 to vector<16xi32>
    %ge3A_435 = arith.cmpi sge, %get3A_429, %ge3A_434 : vector<16xi32>
    %lt3A_436 = arith.constant 1000 : i32
    %lt3A_437 = vector.broadcast %lt3A_436 : i32 to vector<16xi32>
    %lt3A_438 = arith.cmpi slt, %get3A_429, %lt3A_437 : vector<16xi32>
    %and3A_439 = arith.andi %ge3A_435, %lt3A_438 : vector<16xi1>
    %select_n3A_440 = arith.select %and3A_439, %broadcast_in_dim3A_8, %broadcast_in_dim3A_6 : vector<16xi1>, vector<16xf32>
    tpu.vector_store_idx %arg5[%get3A_429, %add3A_432], %select_n3A_440 : memref<1000x128xf32, #tpu.memory_space<vmem>>[vector<16xi32>, vector<16xi32>], vector<16xf32>,
    %get3A_441 = arith.constant 48 : index
    %get3A_442 = tpu.vector_load %arg4[%get3A_441] {strides = array<i32>} : memref<512xi32, #tpu.memory_space<vmem>>, vector<16xi32>,
    %add3A_443 = arith.constant 48 : i32
    %add3A_444 = vector.broadcast %add3A_443 : i32 to vector<16xi32>
    %add3A_445 = arith.addi %add3A_444, %iota3A : vector<16xi32>
    %ge3A_446 = arith.constant 752 : i32
    %ge3A_447 = vector.broadcast %ge3A_446 : i32 to vector<16xi32>
    %ge3A_448 = arith.cmpi sge, %get3A_442, %ge3A_447 : vector<16xi32>
    %lt3A_449 = arith.constant 1000 : i32
    %lt3A_450 = vector.broadcast %lt3A_449 : i32 to vector<16xi32>
    %lt3A_451 = arith.cmpi slt, %get3A_442, %lt3A_450 : vector<16xi32>
    %and3A_452 = arith.andi %ge3A_448, %lt3A_451 : vector<16xi1>
    %select_n3A_453 = arith.select %and3A_452, %broadcast_in_dim3A_8, %broadcast_in_dim3A_6 : vector<16xi1>, vector<16xf32>
    tpu.vector_store_idx %arg5[%get3A_442, %add3A_445], %select_n3A_453 : memref<1000x128xf32, #tpu.memory_space<vmem>>[vector<16xi32>, vector<16xi32>], vector<16xf32>,
    %get3A_454 = arith.constant 64 : index
    %get3A_455 = tpu.vector_load %arg4[%get3A_454] {strides = array<i32>} : memref<512xi32, #tpu.memory_space<vmem>>, vector<16xi32>,
    %add3A_456 = arith.constant 64 : i32
    %add3A_457 = vector.broadcast %add3A_456 : i32 to vector<16xi32>
    %add3A_458 = arith.addi %add3A_457, %iota3A : vector<16xi32>
    %ge3A_459 = arith.constant 752 : i32
    %ge3A_460 = vector.broadcast %ge3A_459 : i32 to vector<16xi32>
    %ge3A_461 = arith.cmpi sge, %get3A_455, %ge3A_460 : vector<16xi32>
    %lt3A_462 = arith.constant 1000 : i32
    %lt3A_463 = vector.broadcast %lt3A_462 : i32 to vector<16xi32>
    %lt3A_464 = arith.cmpi slt, %get3A_455, %lt3A_463 : vector<16xi32>
    %and3A_465 = arith.andi %ge3A_461, %lt3A_464 : vector<16xi1>
    %select_n3A_466 = arith.select %and3A_465, %broadcast_in_dim3A_8, %broadcast_in_dim3A_6 : vector<16xi1>, vector<16xf32>
    tpu.vector_store_idx %arg5[%get3A_455, %add3A_458], %select_n3A_466 : memref<1000x128xf32, #tpu.memory_space<vmem>>[vector<16xi32>, vector<16xi32>], vector<16xf32>,
    %get3A_467 = arith.constant 80 : index
    %get3A_468 = tpu.vector_load %arg4[%get3A_467] {strides = array<i32>} : memref<512xi32, #tpu.memory_space<vmem>>, vector<16xi32>,
    %add3A_469 = arith.constant 80 : i32
    %add3A_470 = vector.broadcast %add3A_469 : i32 to vector<16xi32>
    %add3A_471 = arith.addi %add3A_470, %iota3A : vector<16xi32>
    %ge3A_472 = arith.constant 752 : i32
    %ge3A_473 = vector.broadcast %ge3A_472 : i32 to vector<16xi32>
    %ge3A_474 = arith.cmpi sge, %get3A_468, %ge3A_473 : vector<16xi32>
    %lt3A_475 = arith.constant 1000 : i32
    %lt3A_476 = vector.broadcast %lt3A_475 : i32 to vector<16xi32>
    %lt3A_477 = arith.cmpi slt, %get3A_468, %lt3A_476 : vector<16xi32>
    %and3A_478 = arith.andi %ge3A_474, %lt3A_477 : vector<16xi1>
    %select_n3A_479 = arith.select %and3A_478, %broadcast_in_dim3A_8, %broadcast_in_dim3A_6 : vector<16xi1>, vector<16xf32>
    tpu.vector_store_idx %arg5[%get3A_468, %add3A_471], %select_n3A_479 : memref<1000x128xf32, #tpu.memory_space<vmem>>[vector<16xi32>, vector<16xi32>], vector<16xf32>,
    %get3A_480 = arith.constant 96 : index
    %get3A_481 = tpu.vector_load %arg4[%get3A_480] {strides = array<i32>} : memref<512xi32, #tpu.memory_space<vmem>>, vector<16xi32>,
    %add3A_482 = arith.constant 96 : i32
    %add3A_483 = vector.broadcast %add3A_482 : i32 to vector<16xi32>
    %add3A_484 = arith.addi %add3A_483, %iota3A : vector<16xi32>
    %ge3A_485 = arith.constant 752 : i32
    %ge3A_486 = vector.broadcast %ge3A_485 : i32 to vector<16xi32>
    %ge3A_487 = arith.cmpi sge, %get3A_481, %ge3A_486 : vector<16xi32>
    %lt3A_488 = arith.constant 1000 : i32
    %lt3A_489 = vector.broadcast %lt3A_488 : i32 to vector<16xi32>
    %lt3A_490 = arith.cmpi slt, %get3A_481, %lt3A_489 : vector<16xi32>
    %and3A_491 = arith.andi %ge3A_487, %lt3A_490 : vector<16xi1>
    %select_n3A_492 = arith.select %and3A_491, %broadcast_in_dim3A_8, %broadcast_in_dim3A_6 : vector<16xi1>, vector<16xf32>
    tpu.vector_store_idx %arg5[%get3A_481, %add3A_484], %select_n3A_492 : memref<1000x128xf32, #tpu.memory_space<vmem>>[vector<16xi32>, vector<16xi32>], vector<16xf32>,
    %get3A_493 = arith.constant 112 : index
    %get3A_494 = tpu.vector_load %arg4[%get3A_493] {strides = array<i32>} : memref<512xi32, #tpu.memory_space<vmem>>, vector<16xi32>,
    %add3A_495 = arith.constant 112 : i32
    %add3A_496 = vector.broadcast %add3A_495 : i32 to vector<16xi32>
    %add3A_497 = arith.addi %add3A_496, %iota3A : vector<16xi32>
    %ge3A_498 = arith.constant 752 : i32
    %ge3A_499 = vector.broadcast %ge3A_498 : i32 to vector<16xi32>
    %ge3A_500 = arith.cmpi sge, %get3A_494, %ge3A_499 : vector<16xi32>
    %lt3A_501 = arith.constant 1000 : i32
    %lt3A_502 = vector.broadcast %lt3A_501 : i32 to vector<16xi32>
    %lt3A_503 = arith.cmpi slt, %get3A_494, %lt3A_502 : vector<16xi32>
    %and3A_504 = arith.andi %ge3A_500, %lt3A_503 : vector<16xi1>
    %select_n3A_505 = arith.select %and3A_504, %broadcast_in_dim3A_8, %broadcast_in_dim3A_6 : vector<16xi1>, vector<16xf32>
    tpu.vector_store_idx %arg5[%get3A_494, %add3A_497], %select_n3A_505 : memref<1000x128xf32, #tpu.memory_space<vmem>>[vector<16xi32>, vector<16xi32>], vector<16xf32>,
    %add3A_506 = arith.constant 0 : i32
    %add3A_507 = arith.addi %mul3A_2, %add3A_506 : i32
    %dma_start3A_508 = arith.constant 752 : i32
    %dma_start3A_509 = arith.constant 0 : i32
    %dma_start3A_510 = tpu.memref_slice %arg5[%dma_start3A_508, %dma_start3A_509] : memref<1000x128xf32, #tpu.memory_space<vmem>> -> memref<248x128xf32, #tpu.memory_space<vmem>>
    %dma_start3A_511 = arith.constant 752 : i32
    %dma_start3A_512 = tpu.memref_slice %arg3[%dma_start3A_511, %add3A_507] : memref<1000x16384xf32, #tpu.memory_space<hbm>> -> memref<248x128xf32, #tpu.memory_space<hbm>>
    %dma_start3A_513 = arith.constant 752 : i32
    %dma_start3A_514 = tpu.memref_slice %arg3[%dma_start3A_513, %add3A_507] : memref<1000x16384xf32, #tpu.memory_space<hbm>> -> memref<248x128xf32, #tpu.memory_space<hbm>>
    %dma_start3A_515 = arith.constant 752 : i32
    %dma_start3A_516 = arith.constant 0 : i32
    %dma_start3A_517 = tpu.memref_slice %arg5[%dma_start3A_515, %dma_start3A_516] : memref<1000x128xf32, #tpu.memory_space<vmem>> -> memref<248x128xf32, #tpu.memory_space<vmem>>
    tpu.enqueue_dma source(%dma_start3A_517 : memref<248x128xf32, #tpu.memory_space<vmem>>) target(%dma_start3A_514 : memref<248x128xf32, #tpu.memory_space<hbm>>) target_semaphore(%arg6 : memref<!tpu.dma_semaphore, #tpu.memory_space<semaphore_mem>>)
    %dma_wait3A_518 = arith.constant 752 : i32
    %dma_wait3A_519 = arith.constant 0 : i32
    %dma_wait3A_520 = tpu.memref_slice %arg5[%dma_wait3A_518, %dma_wait3A_519] : memref<1000x128xf32, #tpu.memory_space<vmem>> -> memref<248x128xf32, #tpu.memory_space<vmem>>
    %dma_wait3A_521 = arith.constant 752 : i32
    %dma_wait3A_522 = tpu.memref_slice %arg3[%dma_wait3A_521, %add3A_507] : memref<1000x16384xf32, #tpu.memory_space<hbm>> -> memref<248x128xf32, #tpu.memory_space<hbm>>
    %dma_wait3A_523 = arith.constant 752 : i32
    %dma_wait3A_524 = tpu.memref_slice %arg3[%dma_wait3A_523, %add3A_507] : memref<1000x16384xf32, #tpu.memory_space<hbm>> -> memref<248x128xf32, #tpu.memory_space<hbm>>
    %dma_wait3A_525 = arith.constant 752 : i32
    %dma_wait3A_526 = arith.constant 0 : i32
    %dma_wait3A_527 = tpu.memref_slice %arg5[%dma_wait3A_525, %dma_wait3A_526] : memref<1000x128xf32, #tpu.memory_space<vmem>> -> memref<248x128xf32, #tpu.memory_space<vmem>>
    tpu.wait_dma2 semaphore(%arg6 : memref<!tpu.dma_semaphore, #tpu.memory_space<semaphore_mem>>) src(%dma_wait3A_527 : memref<248x128xf32, #tpu.memory_space<vmem>>) dst(%dma_wait3A_524 : memref<248x128xf32, #tpu.memory_space<hbm>>)
    %get3A_528 = arith.constant 0 : index
    %get3A_529 = tpu.vector_load %arg4[%get3A_528] {strides = array<i32>} : memref<512xi32, #tpu.memory_space<vmem>>, vector<16xi32>,
    %add3A_530 = arith.constant 0 : i32
    %add3A_531 = vector.broadcast %add3A_530 : i32 to vector<16xi32>
    %add3A_532 = arith.addi %add3A_531, %iota3A : vector<16xi32>
    tpu.vector_store_idx %arg5[%get3A_529, %add3A_532], %broadcast_in_dim3A_6 : memref<1000x128xf32, #tpu.memory_space<vmem>>[vector<16xi32>, vector<16xi32>], vector<16xf32>,
    %get3A_533 = arith.constant 16 : index
    %get3A_534 = tpu.vector_load %arg4[%get3A_533] {strides = array<i32>} : memref<512xi32, #tpu.memory_space<vmem>>, vector<16xi32>,
    %add3A_535 = arith.constant 16 : i32
    %add3A_536 = vector.broadcast %add3A_535 : i32 to vector<16xi32>
    %add3A_537 = arith.addi %add3A_536, %iota3A : vector<16xi32>
    tpu.vector_store_idx %arg5[%get3A_534, %add3A_537], %broadcast_in_dim3A_6 : memref<1000x128xf32, #tpu.memory_space<vmem>>[vector<16xi32>, vector<16xi32>], vector<16xf32>,
    %get3A_538 = arith.constant 32 : index
    %get3A_539 = tpu.vector_load %arg4[%get3A_538] {strides = array<i32>} : memref<512xi32, #tpu.memory_space<vmem>>, vector<16xi32>,
    %add3A_540 = arith.constant 32 : i32
    %add3A_541 = vector.broadcast %add3A_540 : i32 to vector<16xi32>
    %add3A_542 = arith.addi %add3A_541, %iota3A : vector<16xi32>
    tpu.vector_store_idx %arg5[%get3A_539, %add3A_542], %broadcast_in_dim3A_6 : memref<1000x128xf32, #tpu.memory_space<vmem>>[vector<16xi32>, vector<16xi32>], vector<16xf32>,
    %get3A_543 = arith.constant 48 : index
    %get3A_544 = tpu.vector_load %arg4[%get3A_543] {strides = array<i32>} : memref<512xi32, #tpu.memory_space<vmem>>, vector<16xi32>,
    %add3A_545 = arith.constant 48 : i32
    %add3A_546 = vector.broadcast %add3A_545 : i32 to vector<16xi32>
    %add3A_547 = arith.addi %add3A_546, %iota3A : vector<16xi32>
    tpu.vector_store_idx %arg5[%get3A_544, %add3A_547], %broadcast_in_dim3A_6 : memref<1000x128xf32, #tpu.memory_space<vmem>>[vector<16xi32>, vector<16xi32>], vector<16xf32>,
    %get3A_548 = arith.constant 64 : index
    %get3A_549 = tpu.vector_load %arg4[%get3A_548] {strides = array<i32>} : memref<512xi32, #tpu.memory_space<vmem>>, vector<16xi32>,
    %add3A_550 = arith.constant 64 : i32
    %add3A_551 = vector.broadcast %add3A_550 : i32 to vector<16xi32>
    %add3A_552 = arith.addi %add3A_551, %iota3A : vector<16xi32>
    tpu.vector_store_idx %arg5[%get3A_549, %add3A_552], %broadcast_in_dim3A_6 : memref<1000x128xf32, #tpu.memory_space<vmem>>[vector<16xi32>, vector<16xi32>], vector<16xf32>,
    %get3A_553 = arith.constant 80 : index
    %get3A_554 = tpu.vector_load %arg4[%get3A_553] {strides = array<i32>} : memref<512xi32, #tpu.memory_space<vmem>>, vector<16xi32>,
    %add3A_555 = arith.constant 80 : i32
    %add3A_556 = vector.broadcast %add3A_555 : i32 to vector<16xi32>
    %add3A_557 = arith.addi %add3A_556, %iota3A : vector<16xi32>
    tpu.vector_store_idx %arg5[%get3A_554, %add3A_557], %broadcast_in_dim3A_6 : memref<1000x128xf32, #tpu.memory_space<vmem>>[vector<16xi32>, vector<16xi32>], vector<16xf32>,
    %get3A_558 = arith.constant 96 : index
    %get3A_559 = tpu.vector_load %arg4[%get3A_558] {strides = array<i32>} : memref<512xi32, #tpu.memory_space<vmem>>, vector<16xi32>,
    %add3A_560 = arith.constant 96 : i32
    %add3A_561 = vector.broadcast %add3A_560 : i32 to vector<16xi32>
    %add3A_562 = arith.addi %add3A_561, %iota3A : vector<16xi32>
    tpu.vector_store_idx %arg5[%get3A_559, %add3A_562], %broadcast_in_dim3A_6 : memref<1000x128xf32, #tpu.memory_space<vmem>>[vector<16xi32>, vector<16xi32>], vector<16xf32>,
    %get3A_563 = arith.constant 112 : index
    %get3A_564 = tpu.vector_load %arg4[%get3A_563] {strides = array<i32>} : memref<512xi32, #tpu.memory_space<vmem>>, vector<16xi32>,
    %add3A_565 = arith.constant 112 : i32
    %add3A_566 = vector.broadcast %add3A_565 : i32 to vector<16xi32>
    %add3A_567 = arith.addi %add3A_566, %iota3A : vector<16xi32>
    tpu.vector_store_idx %arg5[%get3A_564, %add3A_567], %broadcast_in_dim3A_6 : memref<1000x128xf32, #tpu.memory_space<vmem>>[vector<16xi32>, vector<16xi32>], vector<16xf32>,
    %get3A_568 = arith.constant 128 : index
    %get3A_569 = tpu.vector_load %arg4[%get3A_568] {strides = array<i32>} : memref<512xi32, #tpu.memory_space<vmem>>, vector<16xi32>,
    %add3A_570 = arith.constant 0 : i32
    %add3A_571 = vector.broadcast %add3A_570 : i32 to vector<16xi32>
    %add3A_572 = arith.addi %add3A_571, %iota3A : vector<16xi32>
    tpu.vector_store_idx %arg5[%get3A_569, %add3A_572], %broadcast_in_dim3A_8 : memref<1000x128xf32, #tpu.memory_space<vmem>>[vector<16xi32>, vector<16xi32>], vector<16xf32>,
    %get3A_573 = arith.constant 144 : index
    %get3A_574 = tpu.vector_load %arg4[%get3A_573] {strides = array<i32>} : memref<512xi32, #tpu.memory_space<vmem>>, vector<16xi32>,
    %add3A_575 = arith.constant 16 : i32
    %add3A_576 = vector.broadcast %add3A_575 : i32 to vector<16xi32>
    %add3A_577 = arith.addi %add3A_576, %iota3A : vector<16xi32>
    tpu.vector_store_idx %arg5[%get3A_574, %add3A_577], %broadcast_in_dim3A_8 : memref<1000x128xf32, #tpu.memory_space<vmem>>[vector<16xi32>, vector<16xi32>], vector<16xf32>,
    %get3A_578 = arith.constant 160 : index
    %get3A_579 = tpu.vector_load %arg4[%get3A_578] {strides = array<i32>} : memref<512xi32, #tpu.memory_space<vmem>>, vector<16xi32>,
    %add3A_580 = arith.constant 32 : i32
    %add3A_581 = vector.broadcast %add3A_580 : i32 to vector<16xi32>
    %add3A_582 = arith.addi %add3A_581, %iota3A : vector<16xi32>
    tpu.vector_store_idx %arg5[%get3A_579, %add3A_582], %broadcast_in_dim3A_8 : memref<1000x128xf32, #tpu.memory_space<vmem>>[vector<16xi32>, vector<16xi32>], vector<16xf32>,
    %get3A_583 = arith.constant 176 : index
    %get3A_584 = tpu.vector_load %arg4[%get3A_583] {strides = array<i32>} : memref<512xi32, #tpu.memory_space<vmem>>, vector<16xi32>,
    %add3A_585 = arith.constant 48 : i32
    %add3A_586 = vector.broadcast %add3A_585 : i32 to vector<16xi32>
    %add3A_587 = arith.addi %add3A_586, %iota3A : vector<16xi32>
    tpu.vector_store_idx %arg5[%get3A_584, %add3A_587], %broadcast_in_dim3A_8 : memref<1000x128xf32, #tpu.memory_space<vmem>>[vector<16xi32>, vector<16xi32>], vector<16xf32>,
    %get3A_588 = arith.constant 192 : index
    %get3A_589 = tpu.vector_load %arg4[%get3A_588] {strides = array<i32>} : memref<512xi32, #tpu.memory_space<vmem>>, vector<16xi32>,
    %add3A_590 = arith.constant 64 : i32
    %add3A_591 = vector.broadcast %add3A_590 : i32 to vector<16xi32>
    %add3A_592 = arith.addi %add3A_591, %iota3A : vector<16xi32>
    tpu.vector_store_idx %arg5[%get3A_589, %add3A_592], %broadcast_in_dim3A_8 : memref<1000x128xf32, #tpu.memory_space<vmem>>[vector<16xi32>, vector<16xi32>], vector<16xf32>,
    %get3A_593 = arith.constant 208 : index
    %get3A_594 = tpu.vector_load %arg4[%get3A_593] {strides = array<i32>} : memref<512xi32, #tpu.memory_space<vmem>>, vector<16xi32>,
    %add3A_595 = arith.constant 80 : i32
    %add3A_596 = vector.broadcast %add3A_595 : i32 to vector<16xi32>
    %add3A_597 = arith.addi %add3A_596, %iota3A : vector<16xi32>
    tpu.vector_store_idx %arg5[%get3A_594, %add3A_597], %broadcast_in_dim3A_8 : memref<1000x128xf32, #tpu.memory_space<vmem>>[vector<16xi32>, vector<16xi32>], vector<16xf32>,
    %get3A_598 = arith.constant 224 : index
    %get3A_599 = tpu.vector_load %arg4[%get3A_598] {strides = array<i32>} : memref<512xi32, #tpu.memory_space<vmem>>, vector<16xi32>,
    %add3A_600 = arith.constant 96 : i32
    %add3A_601 = vector.broadcast %add3A_600 : i32 to vector<16xi32>
    %add3A_602 = arith.addi %add3A_601, %iota3A : vector<16xi32>
    tpu.vector_store_idx %arg5[%get3A_599, %add3A_602], %broadcast_in_dim3A_8 : memref<1000x128xf32, #tpu.memory_space<vmem>>[vector<16xi32>, vector<16xi32>], vector<16xf32>,
    %get3A_603 = arith.constant 240 : index
    %get3A_604 = tpu.vector_load %arg4[%get3A_603] {strides = array<i32>} : memref<512xi32, #tpu.memory_space<vmem>>, vector<16xi32>,
    %add3A_605 = arith.constant 112 : i32
    %add3A_606 = vector.broadcast %add3A_605 : i32 to vector<16xi32>
    %add3A_607 = arith.addi %add3A_606, %iota3A : vector<16xi32>
    tpu.vector_store_idx %arg5[%get3A_604, %add3A_607], %broadcast_in_dim3A_8 : memref<1000x128xf32, #tpu.memory_space<vmem>>[vector<16xi32>, vector<16xi32>], vector<16xf32>,
    %add3A_608 = arith.constant 128 : i32
    %add3A_609 = arith.addi %mul3A_2, %add3A_608 : i32
    %dma_start3A_610 = arith.constant 0 : i32
    %dma_start3A_611 = arith.constant 0 : i32
    %dma_start3A_612 = tpu.memref_slice %arg5[%dma_start3A_610, %dma_start3A_611] : memref<1000x128xf32, #tpu.memory_space<vmem>> -> memref<1000x128xf32, #tpu.memory_space<vmem>>
    %dma_start3A_613 = arith.constant 0 : i32
    %dma_start3A_614 = tpu.memref_slice %arg3[%dma_start3A_613, %add3A_609] : memref<1000x16384xf32, #tpu.memory_space<hbm>> -> memref<1000x128xf32, #tpu.memory_space<hbm>>
    %dma_start3A_615 = arith.constant 0 : i32
    %dma_start3A_616 = tpu.memref_slice %arg3[%dma_start3A_615, %add3A_609] : memref<1000x16384xf32, #tpu.memory_space<hbm>> -> memref<1000x128xf32, #tpu.memory_space<hbm>>
    %dma_start3A_617 = arith.constant 0 : i32
    %dma_start3A_618 = arith.constant 0 : i32
    %dma_start3A_619 = tpu.memref_slice %arg5[%dma_start3A_617, %dma_start3A_618] : memref<1000x128xf32, #tpu.memory_space<vmem>> -> memref<1000x128xf32, #tpu.memory_space<vmem>>
    tpu.enqueue_dma source(%dma_start3A_619 : memref<1000x128xf32, #tpu.memory_space<vmem>>) target(%dma_start3A_616 : memref<1000x128xf32, #tpu.memory_space<hbm>>) target_semaphore(%arg6 : memref<!tpu.dma_semaphore, #tpu.memory_space<semaphore_mem>>)
    %dma_wait3A_620 = arith.constant 0 : i32
    %dma_wait3A_621 = arith.constant 0 : i32
    %dma_wait3A_622 = tpu.memref_slice %arg5[%dma_wait3A_620, %dma_wait3A_621] : memref<1000x128xf32, #tpu.memory_space<vmem>> -> memref<1000x128xf32, #tpu.memory_space<vmem>>
    %dma_wait3A_623 = arith.constant 0 : i32
    %dma_wait3A_624 = tpu.memref_slice %arg3[%dma_wait3A_623, %add3A_609] : memref<1000x16384xf32, #tpu.memory_space<hbm>> -> memref<1000x128xf32, #tpu.memory_space<hbm>>
    %dma_wait3A_625 = arith.constant 0 : i32
    %dma_wait3A_626 = tpu.memref_slice %arg3[%dma_wait3A_625, %add3A_609] : memref<1000x16384xf32, #tpu.memory_space<hbm>> -> memref<1000x128xf32, #tpu.memory_space<hbm>>
    %dma_wait3A_627 = arith.constant 0 : i32
    %dma_wait3A_628 = arith.constant 0 : i32
    %dma_wait3A_629 = tpu.memref_slice %arg5[%dma_wait3A_627, %dma_wait3A_628] : memref<1000x128xf32, #tpu.memory_space<vmem>> -> memref<1000x128xf32, #tpu.memory_space<vmem>>
    tpu.wait_dma2 semaphore(%arg6 : memref<!tpu.dma_semaphore, #tpu.memory_space<semaphore_mem>>) src(%dma_wait3A_629 : memref<1000x128xf32, #tpu.memory_space<vmem>>) dst(%dma_wait3A_626 : memref<1000x128xf32, #tpu.memory_space<hbm>>)
    %get3A_630 = arith.constant 128 : index
    %get3A_631 = tpu.vector_load %arg4[%get3A_630] {strides = array<i32>} : memref<512xi32, #tpu.memory_space<vmem>>, vector<16xi32>,
    %add3A_632 = arith.constant 0 : i32
    %add3A_633 = vector.broadcast %add3A_632 : i32 to vector<16xi32>
    %add3A_634 = arith.addi %add3A_633, %iota3A : vector<16xi32>
    tpu.vector_store_idx %arg5[%get3A_631, %add3A_634], %broadcast_in_dim3A_6 : memref<1000x128xf32, #tpu.memory_space<vmem>>[vector<16xi32>, vector<16xi32>], vector<16xf32>,
    %get3A_635 = arith.constant 144 : index
    %get3A_636 = tpu.vector_load %arg4[%get3A_635] {strides = array<i32>} : memref<512xi32, #tpu.memory_space<vmem>>, vector<16xi32>,
    %add3A_637 = arith.constant 16 : i32
    %add3A_638 = vector.broadcast %add3A_637 : i32 to vector<16xi32>
    %add3A_639 = arith.addi %add3A_638, %iota3A : vector<16xi32>
    tpu.vector_store_idx %arg5[%get3A_636, %add3A_639], %broadcast_in_dim3A_6 : memref<1000x128xf32, #tpu.memory_space<vmem>>[vector<16xi32>, vector<16xi32>], vector<16xf32>,
    %get3A_640 = arith.constant 160 : index
    %get3A_641 = tpu.vector_load %arg4[%get3A_640] {strides = array<i32>} : memref<512xi32, #tpu.memory_space<vmem>>, vector<16xi32>,
    %add3A_642 = arith.constant 32 : i32
    %add3A_643 = vector.broadcast %add3A_642 : i32 to vector<16xi32>
    %add3A_644 = arith.addi %add3A_643, %iota3A : vector<16xi32>
    tpu.vector_store_idx %arg5[%get3A_641, %add3A_644], %broadcast_in_dim3A_6 : memref<1000x128xf32, #tpu.memory_space<vmem>>[vector<16xi32>, vector<16xi32>], vector<16xf32>,
    %get3A_645 = arith.constant 176 : index
    %get3A_646 = tpu.vector_load %arg4[%get3A_645] {strides = array<i32>} : memref<512xi32, #tpu.memory_space<vmem>>, vector<16xi32>,
    %add3A_647 = arith.constant 48 : i32
    %add3A_648 = vector.broadcast %add3A_647 : i32 to vector<16xi32>
    %add3A_649 = arith.addi %add3A_648, %iota3A : vector<16xi32>
    tpu.vector_store_idx %arg5[%get3A_646, %add3A_649], %broadcast_in_dim3A_6 : memref<1000x128xf32, #tpu.memory_space<vmem>>[vector<16xi32>, vector<16xi32>], vector<16xf32>,
    %get3A_650 = arith.constant 192 : index
    %get3A_651 = tpu.vector_load %arg4[%get3A_650] {strides = array<i32>} : memref<512xi32, #tpu.memory_space<vmem>>, vector<16xi32>,
    %add3A_652 = arith.constant 64 : i32
    %add3A_653 = vector.broadcast %add3A_652 : i32 to vector<16xi32>
    %add3A_654 = arith.addi %add3A_653, %iota3A : vector<16xi32>
    tpu.vector_store_idx %arg5[%get3A_651, %add3A_654], %broadcast_in_dim3A_6 : memref<1000x128xf32, #tpu.memory_space<vmem>>[vector<16xi32>, vector<16xi32>], vector<16xf32>,
    %get3A_655 = arith.constant 208 : index
    %get3A_656 = tpu.vector_load %arg4[%get3A_655] {strides = array<i32>} : memref<512xi32, #tpu.memory_space<vmem>>, vector<16xi32>,
    %add3A_657 = arith.constant 80 : i32
    %add3A_658 = vector.broadcast %add3A_657 : i32 to vector<16xi32>
    %add3A_659 = arith.addi %add3A_658, %iota3A : vector<16xi32>
    tpu.vector_store_idx %arg5[%get3A_656, %add3A_659], %broadcast_in_dim3A_6 : memref<1000x128xf32, #tpu.memory_space<vmem>>[vector<16xi32>, vector<16xi32>], vector<16xf32>,
    %get3A_660 = arith.constant 224 : index
    %get3A_661 = tpu.vector_load %arg4[%get3A_660] {strides = array<i32>} : memref<512xi32, #tpu.memory_space<vmem>>, vector<16xi32>,
    %add3A_662 = arith.constant 96 : i32
    %add3A_663 = vector.broadcast %add3A_662 : i32 to vector<16xi32>
    %add3A_664 = arith.addi %add3A_663, %iota3A : vector<16xi32>
    tpu.vector_store_idx %arg5[%get3A_661, %add3A_664], %broadcast_in_dim3A_6 : memref<1000x128xf32, #tpu.memory_space<vmem>>[vector<16xi32>, vector<16xi32>], vector<16xf32>,
    %get3A_665 = arith.constant 240 : index
    %get3A_666 = tpu.vector_load %arg4[%get3A_665] {strides = array<i32>} : memref<512xi32, #tpu.memory_space<vmem>>, vector<16xi32>,
    %add3A_667 = arith.constant 112 : i32
    %add3A_668 = vector.broadcast %add3A_667 : i32 to vector<16xi32>
    %add3A_669 = arith.addi %add3A_668, %iota3A : vector<16xi32>
    tpu.vector_store_idx %arg5[%get3A_666, %add3A_669], %broadcast_in_dim3A_6 : memref<1000x128xf32, #tpu.memory_space<vmem>>[vector<16xi32>, vector<16xi32>], vector<16xf32>,
    %get3A_670 = arith.constant 256 : index
    %get3A_671 = tpu.vector_load %arg4[%get3A_670] {strides = array<i32>} : memref<512xi32, #tpu.memory_space<vmem>>, vector<16xi32>,
    %add3A_672 = arith.constant 0 : i32
    %add3A_673 = vector.broadcast %add3A_672 : i32 to vector<16xi32>
    %add3A_674 = arith.addi %add3A_673, %iota3A : vector<16xi32>
    tpu.vector_store_idx %arg5[%get3A_671, %add3A_674], %broadcast_in_dim3A_8 : memref<1000x128xf32, #tpu.memory_space<vmem>>[vector<16xi32>, vector<16xi32>], vector<16xf32>,
    %get3A_675 = arith.constant 272 : index
    %get3A_676 = tpu.vector_load %arg4[%get3A_675] {strides = array<i32>} : memref<512xi32, #tpu.memory_space<vmem>>, vector<16xi32>,
    %add3A_677 = arith.constant 16 : i32
    %add3A_678 = vector.broadcast %add3A_677 : i32 to vector<16xi32>
    %add3A_679 = arith.addi %add3A_678, %iota3A : vector<16xi32>
    tpu.vector_store_idx %arg5[%get3A_676, %add3A_679], %broadcast_in_dim3A_8 : memref<1000x128xf32, #tpu.memory_space<vmem>>[vector<16xi32>, vector<16xi32>], vector<16xf32>,
    %get3A_680 = arith.constant 288 : index
    %get3A_681 = tpu.vector_load %arg4[%get3A_680] {strides = array<i32>} : memref<512xi32, #tpu.memory_space<vmem>>, vector<16xi32>,
    %add3A_682 = arith.constant 32 : i32
    %add3A_683 = vector.broadcast %add3A_682 : i32 to vector<16xi32>
    %add3A_684 = arith.addi %add3A_683, %iota3A : vector<16xi32>
    tpu.vector_store_idx %arg5[%get3A_681, %add3A_684], %broadcast_in_dim3A_8 : memref<1000x128xf32, #tpu.memory_space<vmem>>[vector<16xi32>, vector<16xi32>], vector<16xf32>,
    %get3A_685 = arith.constant 304 : index
    %get3A_686 = tpu.vector_load %arg4[%get3A_685] {strides = array<i32>} : memref<512xi32, #tpu.memory_space<vmem>>, vector<16xi32>,
    %add3A_687 = arith.constant 48 : i32
    %add3A_688 = vector.broadcast %add3A_687 : i32 to vector<16xi32>
    %add3A_689 = arith.addi %add3A_688, %iota3A : vector<16xi32>
    tpu.vector_store_idx %arg5[%get3A_686, %add3A_689], %broadcast_in_dim3A_8 : memref<1000x128xf32, #tpu.memory_space<vmem>>[vector<16xi32>, vector<16xi32>], vector<16xf32>,
    %get3A_690 = arith.constant 320 : index
    %get3A_691 = tpu.vector_load %arg4[%get3A_690] {strides = array<i32>} : memref<512xi32, #tpu.memory_space<vmem>>, vector<16xi32>,
    %add3A_692 = arith.constant 64 : i32
    %add3A_693 = vector.broadcast %add3A_692 : i32 to vector<16xi32>
    %add3A_694 = arith.addi %add3A_693, %iota3A : vector<16xi32>
    tpu.vector_store_idx %arg5[%get3A_691, %add3A_694], %broadcast_in_dim3A_8 : memref<1000x128xf32, #tpu.memory_space<vmem>>[vector<16xi32>, vector<16xi32>], vector<16xf32>,
    %get3A_695 = arith.constant 336 : index
    %get3A_696 = tpu.vector_load %arg4[%get3A_695] {strides = array<i32>} : memref<512xi32, #tpu.memory_space<vmem>>, vector<16xi32>,
    %add3A_697 = arith.constant 80 : i32
    %add3A_698 = vector.broadcast %add3A_697 : i32 to vector<16xi32>
    %add3A_699 = arith.addi %add3A_698, %iota3A : vector<16xi32>
    tpu.vector_store_idx %arg5[%get3A_696, %add3A_699], %broadcast_in_dim3A_8 : memref<1000x128xf32, #tpu.memory_space<vmem>>[vector<16xi32>, vector<16xi32>], vector<16xf32>,
    %get3A_700 = arith.constant 352 : index
    %get3A_701 = tpu.vector_load %arg4[%get3A_700] {strides = array<i32>} : memref<512xi32, #tpu.memory_space<vmem>>, vector<16xi32>,
    %add3A_702 = arith.constant 96 : i32
    %add3A_703 = vector.broadcast %add3A_702 : i32 to vector<16xi32>
    %add3A_704 = arith.addi %add3A_703, %iota3A : vector<16xi32>
    tpu.vector_store_idx %arg5[%get3A_701, %add3A_704], %broadcast_in_dim3A_8 : memref<1000x128xf32, #tpu.memory_space<vmem>>[vector<16xi32>, vector<16xi32>], vector<16xf32>,
    %get3A_705 = arith.constant 368 : index
    %get3A_706 = tpu.vector_load %arg4[%get3A_705] {strides = array<i32>} : memref<512xi32, #tpu.memory_space<vmem>>, vector<16xi32>,
    %add3A_707 = arith.constant 112 : i32
    %add3A_708 = vector.broadcast %add3A_707 : i32 to vector<16xi32>
    %add3A_709 = arith.addi %add3A_708, %iota3A : vector<16xi32>
    tpu.vector_store_idx %arg5[%get3A_706, %add3A_709], %broadcast_in_dim3A_8 : memref<1000x128xf32, #tpu.memory_space<vmem>>[vector<16xi32>, vector<16xi32>], vector<16xf32>,
    %add3A_710 = arith.constant 256 : i32
    %add3A_711 = arith.addi %mul3A_2, %add3A_710 : i32
    %dma_start3A_712 = arith.constant 0 : i32
    %dma_start3A_713 = arith.constant 0 : i32
    %dma_start3A_714 = tpu.memref_slice %arg5[%dma_start3A_712, %dma_start3A_713] : memref<1000x128xf32, #tpu.memory_space<vmem>> -> memref<1000x128xf32, #tpu.memory_space<vmem>>
    %dma_start3A_715 = arith.constant 0 : i32
    %dma_start3A_716 = tpu.memref_slice %arg3[%dma_start3A_715, %add3A_711] : memref<1000x16384xf32, #tpu.memory_space<hbm>> -> memref<1000x128xf32, #tpu.memory_space<hbm>>
    %dma_start3A_717 = arith.constant 0 : i32
    %dma_start3A_718 = tpu.memref_slice %arg3[%dma_start3A_717, %add3A_711] : memref<1000x16384xf32, #tpu.memory_space<hbm>> -> memref<1000x128xf32, #tpu.memory_space<hbm>>
    %dma_start3A_719 = arith.constant 0 : i32
    %dma_start3A_720 = arith.constant 0 : i32
    %dma_start3A_721 = tpu.memref_slice %arg5[%dma_start3A_719, %dma_start3A_720] : memref<1000x128xf32, #tpu.memory_space<vmem>> -> memref<1000x128xf32, #tpu.memory_space<vmem>>
    tpu.enqueue_dma source(%dma_start3A_721 : memref<1000x128xf32, #tpu.memory_space<vmem>>) target(%dma_start3A_718 : memref<1000x128xf32, #tpu.memory_space<hbm>>) target_semaphore(%arg6 : memref<!tpu.dma_semaphore, #tpu.memory_space<semaphore_mem>>)
    %dma_wait3A_722 = arith.constant 0 : i32
    %dma_wait3A_723 = arith.constant 0 : i32
    %dma_wait3A_724 = tpu.memref_slice %arg5[%dma_wait3A_722, %dma_wait3A_723] : memref<1000x128xf32, #tpu.memory_space<vmem>> -> memref<1000x128xf32, #tpu.memory_space<vmem>>
    %dma_wait3A_725 = arith.constant 0 : i32
    %dma_wait3A_726 = tpu.memref_slice %arg3[%dma_wait3A_725, %add3A_711] : memref<1000x16384xf32, #tpu.memory_space<hbm>> -> memref<1000x128xf32, #tpu.memory_space<hbm>>
    %dma_wait3A_727 = arith.constant 0 : i32
    %dma_wait3A_728 = tpu.memref_slice %arg3[%dma_wait3A_727, %add3A_711] : memref<1000x16384xf32, #tpu.memory_space<hbm>> -> memref<1000x128xf32, #tpu.memory_space<hbm>>
    %dma_wait3A_729 = arith.constant 0 : i32
    %dma_wait3A_730 = arith.constant 0 : i32
    %dma_wait3A_731 = tpu.memref_slice %arg5[%dma_wait3A_729, %dma_wait3A_730] : memref<1000x128xf32, #tpu.memory_space<vmem>> -> memref<1000x128xf32, #tpu.memory_space<vmem>>
    tpu.wait_dma2 semaphore(%arg6 : memref<!tpu.dma_semaphore, #tpu.memory_space<semaphore_mem>>) src(%dma_wait3A_731 : memref<1000x128xf32, #tpu.memory_space<vmem>>) dst(%dma_wait3A_728 : memref<1000x128xf32, #tpu.memory_space<hbm>>)
    %get3A_732 = arith.constant 256 : index
    %get3A_733 = tpu.vector_load %arg4[%get3A_732] {strides = array<i32>} : memref<512xi32, #tpu.memory_space<vmem>>, vector<16xi32>,
    %add3A_734 = arith.constant 0 : i32
    %add3A_735 = vector.broadcast %add3A_734 : i32 to vector<16xi32>
    %add3A_736 = arith.addi %add3A_735, %iota3A : vector<16xi32>
    tpu.vector_store_idx %arg5[%get3A_733, %add3A_736], %broadcast_in_dim3A_6 : memref<1000x128xf32, #tpu.memory_space<vmem>>[vector<16xi32>, vector<16xi32>], vector<16xf32>,
    %get3A_737 = arith.constant 272 : index
    %get3A_738 = tpu.vector_load %arg4[%get3A_737] {strides = array<i32>} : memref<512xi32, #tpu.memory_space<vmem>>, vector<16xi32>,
    %add3A_739 = arith.constant 16 : i32
    %add3A_740 = vector.broadcast %add3A_739 : i32 to vector<16xi32>
    %add3A_741 = arith.addi %add3A_740, %iota3A : vector<16xi32>
    tpu.vector_store_idx %arg5[%get3A_738, %add3A_741], %broadcast_in_dim3A_6 : memref<1000x128xf32, #tpu.memory_space<vmem>>[vector<16xi32>, vector<16xi32>], vector<16xf32>,
    %get3A_742 = arith.constant 288 : index
    %get3A_743 = tpu.vector_load %arg4[%get3A_742] {strides = array<i32>} : memref<512xi32, #tpu.memory_space<vmem>>, vector<16xi32>,
    %add3A_744 = arith.constant 32 : i32
    %add3A_745 = vector.broadcast %add3A_744 : i32 to vector<16xi32>
    %add3A_746 = arith.addi %add3A_745, %iota3A : vector<16xi32>
    tpu.vector_store_idx %arg5[%get3A_743, %add3A_746], %broadcast_in_dim3A_6 : memref<1000x128xf32, #tpu.memory_space<vmem>>[vector<16xi32>, vector<16xi32>], vector<16xf32>,
    %get3A_747 = arith.constant 304 : index
    %get3A_748 = tpu.vector_load %arg4[%get3A_747] {strides = array<i32>} : memref<512xi32, #tpu.memory_space<vmem>>, vector<16xi32>,
    %add3A_749 = arith.constant 48 : i32
    %add3A_750 = vector.broadcast %add3A_749 : i32 to vector<16xi32>
    %add3A_751 = arith.addi %add3A_750, %iota3A : vector<16xi32>
    tpu.vector_store_idx %arg5[%get3A_748, %add3A_751], %broadcast_in_dim3A_6 : memref<1000x128xf32, #tpu.memory_space<vmem>>[vector<16xi32>, vector<16xi32>], vector<16xf32>,
    %get3A_752 = arith.constant 320 : index
    %get3A_753 = tpu.vector_load %arg4[%get3A_752] {strides = array<i32>} : memref<512xi32, #tpu.memory_space<vmem>>, vector<16xi32>,
    %add3A_754 = arith.constant 64 : i32
    %add3A_755 = vector.broadcast %add3A_754 : i32 to vector<16xi32>
    %add3A_756 = arith.addi %add3A_755, %iota3A : vector<16xi32>
    tpu.vector_store_idx %arg5[%get3A_753, %add3A_756], %broadcast_in_dim3A_6 : memref<1000x128xf32, #tpu.memory_space<vmem>>[vector<16xi32>, vector<16xi32>], vector<16xf32>,
    %get3A_757 = arith.constant 336 : index
    %get3A_758 = tpu.vector_load %arg4[%get3A_757] {strides = array<i32>} : memref<512xi32, #tpu.memory_space<vmem>>, vector<16xi32>,
    %add3A_759 = arith.constant 80 : i32
    %add3A_760 = vector.broadcast %add3A_759 : i32 to vector<16xi32>
    %add3A_761 = arith.addi %add3A_760, %iota3A : vector<16xi32>
    tpu.vector_store_idx %arg5[%get3A_758, %add3A_761], %broadcast_in_dim3A_6 : memref<1000x128xf32, #tpu.memory_space<vmem>>[vector<16xi32>, vector<16xi32>], vector<16xf32>,
    %get3A_762 = arith.constant 352 : index
    %get3A_763 = tpu.vector_load %arg4[%get3A_762] {strides = array<i32>} : memref<512xi32, #tpu.memory_space<vmem>>, vector<16xi32>,
    %add3A_764 = arith.constant 96 : i32
    %add3A_765 = vector.broadcast %add3A_764 : i32 to vector<16xi32>
    %add3A_766 = arith.addi %add3A_765, %iota3A : vector<16xi32>
    tpu.vector_store_idx %arg5[%get3A_763, %add3A_766], %broadcast_in_dim3A_6 : memref<1000x128xf32, #tpu.memory_space<vmem>>[vector<16xi32>, vector<16xi32>], vector<16xf32>,
    %get3A_767 = arith.constant 368 : index
    %get3A_768 = tpu.vector_load %arg4[%get3A_767] {strides = array<i32>} : memref<512xi32, #tpu.memory_space<vmem>>, vector<16xi32>,
    %add3A_769 = arith.constant 112 : i32
    %add3A_770 = vector.broadcast %add3A_769 : i32 to vector<16xi32>
    %add3A_771 = arith.addi %add3A_770, %iota3A : vector<16xi32>
    tpu.vector_store_idx %arg5[%get3A_768, %add3A_771], %broadcast_in_dim3A_6 : memref<1000x128xf32, #tpu.memory_space<vmem>>[vector<16xi32>, vector<16xi32>], vector<16xf32>,
    %get3A_772 = arith.constant 384 : index
    %get3A_773 = tpu.vector_load %arg4[%get3A_772] {strides = array<i32>} : memref<512xi32, #tpu.memory_space<vmem>>, vector<16xi32>,
    %add3A_774 = arith.constant 0 : i32
    %add3A_775 = vector.broadcast %add3A_774 : i32 to vector<16xi32>
    %add3A_776 = arith.addi %add3A_775, %iota3A : vector<16xi32>
    tpu.vector_store_idx %arg5[%get3A_773, %add3A_776], %broadcast_in_dim3A_8 : memref<1000x128xf32, #tpu.memory_space<vmem>>[vector<16xi32>, vector<16xi32>], vector<16xf32>,
    %get3A_777 = arith.constant 400 : index
    %get3A_778 = tpu.vector_load %arg4[%get3A_777] {strides = array<i32>} : memref<512xi32, #tpu.memory_space<vmem>>, vector<16xi32>,
    %add3A_779 = arith.constant 16 : i32
    %add3A_780 = vector.broadcast %add3A_779 : i32 to vector<16xi32>
    %add3A_781 = arith.addi %add3A_780, %iota3A : vector<16xi32>
    tpu.vector_store_idx %arg5[%get3A_778, %add3A_781], %broadcast_in_dim3A_8 : memref<1000x128xf32, #tpu.memory_space<vmem>>[vector<16xi32>, vector<16xi32>], vector<16xf32>,
    %get3A_782 = arith.constant 416 : index
    %get3A_783 = tpu.vector_load %arg4[%get3A_782] {strides = array<i32>} : memref<512xi32, #tpu.memory_space<vmem>>, vector<16xi32>,
    %add3A_784 = arith.constant 32 : i32
    %add3A_785 = vector.broadcast %add3A_784 : i32 to vector<16xi32>
    %add3A_786 = arith.addi %add3A_785, %iota3A : vector<16xi32>
    tpu.vector_store_idx %arg5[%get3A_783, %add3A_786], %broadcast_in_dim3A_8 : memref<1000x128xf32, #tpu.memory_space<vmem>>[vector<16xi32>, vector<16xi32>], vector<16xf32>,
    %get3A_787 = arith.constant 432 : index
    %get3A_788 = tpu.vector_load %arg4[%get3A_787] {strides = array<i32>} : memref<512xi32, #tpu.memory_space<vmem>>, vector<16xi32>,
    %add3A_789 = arith.constant 48 : i32
    %add3A_790 = vector.broadcast %add3A_789 : i32 to vector<16xi32>
    %add3A_791 = arith.addi %add3A_790, %iota3A : vector<16xi32>
    tpu.vector_store_idx %arg5[%get3A_788, %add3A_791], %broadcast_in_dim3A_8 : memref<1000x128xf32, #tpu.memory_space<vmem>>[vector<16xi32>, vector<16xi32>], vector<16xf32>,
    %get3A_792 = arith.constant 448 : index
    %get3A_793 = tpu.vector_load %arg4[%get3A_792] {strides = array<i32>} : memref<512xi32, #tpu.memory_space<vmem>>, vector<16xi32>,
    %add3A_794 = arith.constant 64 : i32
    %add3A_795 = vector.broadcast %add3A_794 : i32 to vector<16xi32>
    %add3A_796 = arith.addi %add3A_795, %iota3A : vector<16xi32>
    tpu.vector_store_idx %arg5[%get3A_793, %add3A_796], %broadcast_in_dim3A_8 : memref<1000x128xf32, #tpu.memory_space<vmem>>[vector<16xi32>, vector<16xi32>], vector<16xf32>,
    %get3A_797 = arith.constant 464 : index
    %get3A_798 = tpu.vector_load %arg4[%get3A_797] {strides = array<i32>} : memref<512xi32, #tpu.memory_space<vmem>>, vector<16xi32>,
    %add3A_799 = arith.constant 80 : i32
    %add3A_800 = vector.broadcast %add3A_799 : i32 to vector<16xi32>
    %add3A_801 = arith.addi %add3A_800, %iota3A : vector<16xi32>
    tpu.vector_store_idx %arg5[%get3A_798, %add3A_801], %broadcast_in_dim3A_8 : memref<1000x128xf32, #tpu.memory_space<vmem>>[vector<16xi32>, vector<16xi32>], vector<16xf32>,
    %get3A_802 = arith.constant 480 : index
    %get3A_803 = tpu.vector_load %arg4[%get3A_802] {strides = array<i32>} : memref<512xi32, #tpu.memory_space<vmem>>, vector<16xi32>,
    %add3A_804 = arith.constant 96 : i32
    %add3A_805 = vector.broadcast %add3A_804 : i32 to vector<16xi32>
    %add3A_806 = arith.addi %add3A_805, %iota3A : vector<16xi32>
    tpu.vector_store_idx %arg5[%get3A_803, %add3A_806], %broadcast_in_dim3A_8 : memref<1000x128xf32, #tpu.memory_space<vmem>>[vector<16xi32>, vector<16xi32>], vector<16xf32>,
    %get3A_807 = arith.constant 496 : index
    %get3A_808 = tpu.vector_load %arg4[%get3A_807] {strides = array<i32>} : memref<512xi32, #tpu.memory_space<vmem>>, vector<16xi32>,
    %add3A_809 = arith.constant 112 : i32
    %add3A_810 = vector.broadcast %add3A_809 : i32 to vector<16xi32>
    %add3A_811 = arith.addi %add3A_810, %iota3A : vector<16xi32>
    tpu.vector_store_idx %arg5[%get3A_808, %add3A_811], %broadcast_in_dim3A_8 : memref<1000x128xf32, #tpu.memory_space<vmem>>[vector<16xi32>, vector<16xi32>], vector<16xf32>,
    %add3A_812 = arith.constant 384 : i32
    %add3A_813 = arith.addi %mul3A_2, %add3A_812 : i32
    %dma_start3A_814 = arith.constant 0 : i32
    %dma_start3A_815 = arith.constant 0 : i32
    %dma_start3A_816 = tpu.memref_slice %arg5[%dma_start3A_814, %dma_start3A_815] : memref<1000x128xf32, #tpu.memory_space<vmem>> -> memref<1000x128xf32, #tpu.memory_space<vmem>>
    %dma_start3A_817 = arith.constant 0 : i32
    %dma_start3A_818 = tpu.memref_slice %arg3[%dma_start3A_817, %add3A_813] : memref<1000x16384xf32, #tpu.memory_space<hbm>> -> memref<1000x128xf32, #tpu.memory_space<hbm>>
    %dma_start3A_819 = arith.constant 0 : i32
    %dma_start3A_820 = tpu.memref_slice %arg3[%dma_start3A_819, %add3A_813] : memref<1000x16384xf32, #tpu.memory_space<hbm>> -> memref<1000x128xf32, #tpu.memory_space<hbm>>
    %dma_start3A_821 = arith.constant 0 : i32
    %dma_start3A_822 = arith.constant 0 : i32
    %dma_start3A_823 = tpu.memref_slice %arg5[%dma_start3A_821, %dma_start3A_822] : memref<1000x128xf32, #tpu.memory_space<vmem>> -> memref<1000x128xf32, #tpu.memory_space<vmem>>
    tpu.enqueue_dma source(%dma_start3A_823 : memref<1000x128xf32, #tpu.memory_space<vmem>>) target(%dma_start3A_820 : memref<1000x128xf32, #tpu.memory_space<hbm>>) target_semaphore(%arg6 : memref<!tpu.dma_semaphore, #tpu.memory_space<semaphore_mem>>)
    %dma_wait3A_824 = arith.constant 0 : i32
    %dma_wait3A_825 = arith.constant 0 : i32
    %dma_wait3A_826 = tpu.memref_slice %arg5[%dma_wait3A_824, %dma_wait3A_825] : memref<1000x128xf32, #tpu.memory_space<vmem>> -> memref<1000x128xf32, #tpu.memory_space<vmem>>
    %dma_wait3A_827 = arith.constant 0 : i32
    %dma_wait3A_828 = tpu.memref_slice %arg3[%dma_wait3A_827, %add3A_813] : memref<1000x16384xf32, #tpu.memory_space<hbm>> -> memref<1000x128xf32, #tpu.memory_space<hbm>>
    %dma_wait3A_829 = arith.constant 0 : i32
    %dma_wait3A_830 = tpu.memref_slice %arg3[%dma_wait3A_829, %add3A_813] : memref<1000x16384xf32, #tpu.memory_space<hbm>> -> memref<1000x128xf32, #tpu.memory_space<hbm>>
    %dma_wait3A_831 = arith.constant 0 : i32
    %dma_wait3A_832 = arith.constant 0 : i32
    %dma_wait3A_833 = tpu.memref_slice %arg5[%dma_wait3A_831, %dma_wait3A_832] : memref<1000x128xf32, #tpu.memory_space<vmem>> -> memref<1000x128xf32, #tpu.memory_space<vmem>>
    tpu.wait_dma2 semaphore(%arg6 : memref<!tpu.dma_semaphore, #tpu.memory_space<semaphore_mem>>) src(%dma_wait3A_833 : memref<1000x128xf32, #tpu.memory_space<vmem>>) dst(%dma_wait3A_830 : memref<1000x128xf32, #tpu.memory_space<hbm>>)
    return
  }
}

</mosaic_0001>

<sc_bundles>
// kernel: _one_hot_sc.3.cloned.1.call-start
scs
__scs_entry_jumppad:
0x0: {  	(pc) =	sbr.rel $0x88, $3  }
0x1: {  	(tag) =	ssettag $0x0;
	lr =	simm.s32 $0x1  }
0x2: {  	[smem:$0x3FA0] =	sst lr;
	_ =	strace $0xD0000000  }
0x3: {  	_ = 	snop  }
0x4: {  	_ = 	snop  }
0x5: {  	_ = 	snop  }
0x6: {  	_ = 	snop  }
0x7: {  	_ = 	snop  }
__scs_overlays_trampoline_lowered:
0x8: {  	[smem:$0x3FAF] =	sst s0  }
0x9: {  	[smem:$0x3FB0] =	sst s1  }
0xa: {  	[smem:$0x3FB1] =	sst s2  }
0xb: {  	[smem:$0x3FB2] =	sst s3  }
0xc: {  	[smem:$0x3FB3] =	sst s4  }
0xd: {  	[smem:$0x3FB4] =	sst s5  }
0xe: {  	[smem:$0x3FB5] =	sst s6  }
0xf: {  	[smem:$0x3FB6] =	sst s7  }
0x10: {  	[smem:$0x3FB7] =	sst s8  }
0x11: {  	[smem:$0x3FB8] =	sst s9;
	s0 =	simm.s32 @!p0 $0x0  }
0x12: {  	s1 =	sld [smem:$0x3F9E];
	s0 =	simm.s32 @p0 $0x1  }
0x13: {  	[smem:$0x3FB9] =	sst s0;
	s0 =	simm.s32 @!p1 $0x0  }
0x14: {  	s2 =	sld [smem:$0x3F9D];
	s0 =	simm.s32 @p1 $0x1  }
0x15: {  	[smem:$0x3FBA] =	sst s0;
	s0 =	simm.s32 @!p2 $0x0  }
0x16: {  	s3 =	sld [smem:$0x3FDB];
	s0 =	simm.s32 @p2 $0x1  }
0x17: {  	s4 =	simm.s32 $0x1BF5;
	[smem:$0x3FBC] =	sst s0  }
0x18: {  	s0 =	sld [smem:$0x3F9F];
	_ =	swait.ge [sflag:s4], $0x0  }
0x19: {  	s7 =	sld [smem:$0x3FA0]  }
0x1a: {  	s8 =	sadd.s32 $0xFFFFE003, lr  }
0x1b: {  	s9 =	sadd.s32 $0xFFFFFEF7, lr;
	s5 =	simm.s32 $0xFFFFFFFF;
	p2 =	slt.u32 s8, $0xFFFFF086  }
0x1c: {  	p1 =	slt.u32 s9, $0xF7A;
	s5 =	simm.s32 @!p2 $0x0  }
0x1d: {  	s5 =	simm.s32 @p1 $0x1;
	p0 =	seq.s32 s7, s2  }
0x1e: {  	s7 =	smul.u32 @!p0 $0xF7A, s2;
	p2 =	seq.s32 @!p0 s5, $0x0  }
0x1f: {  	s9 =	smul.u32 $0xF7A, s1;
	s8 =	simm.s32 @!p0 $0x1BF5;
	p2 =	por !p2, p0  }
0x20: {  	[sflag:s8] =	ssyncset.s32 @!p0 $0xFFFFF086;
	s6 =	sadd.s32 @!p0 s3, s7;
	s7 =	simm.s32 @!p0 $0x108  }
0x21: {  	s3 =	sadd.s32 s3, s9;
	s6 =	sadd.s32 @!p0 $0x88, s6;
	s7 =	simm.s32 @p2 $0x1082  }
0x22: {  	[simem:s7], [sflag:s8] =	dma.local @!p0 [hbm:s6], $0xF7A  }
0x23: {  	s9 =	sor.u32 $0xD0000000, s2;
	s6 =	simm.s32 $0x108;
	_ =	swait.ge @!p0 [sflag:s8], $0x0  }
0x24: {  	s3 =	sadd.s32 $0x88, s3;
	s6 =	simm.s32 @!p1 $0x1082;
	[sflag:s4] =	ssyncset.s32 $0xFFFFF086  }
0x25: {  	[simem:s6], [sflag:s4] =	dma.local [hbm:s3], $0xF7A  }
0x26: {  	[smem:$0x3FA0] =	sst s1;
	(tag) =	ssettag s2;
	_ =	strace s9  }
0x27: {  	s1 =	sld [smem:$0x3FB0]  }
0x28: {  	s2 =	sld [smem:$0x3FB1]  }
0x29: {  	s4 =	sld [smem:$0x3FB3]  }
0x2a: {  	p0 =	seq.s32 s5, $0x0;
	s5 =	sld [smem:$0x3FB4]  }
0x2b: {  	s6 =	sld [smem:$0x3FB5]  }
0x2c: {  	s7 =	sld [smem:$0x3FB6]  }
0x2d: {  	s3 =	simm.s32 $0x108;
	s8 =	sld [smem:$0x3FB7]  }
0x2e: {  	s3 =	simm.s32 @!p0 $0x1082;
	s9 =	sld [smem:$0x3FB8]  }
0x2f: {  	lr =	sadd.s32 s0, s3;
	s0 =	sld [smem:$0x3FAF]  }
0x30: {  	s3 =	sld [smem:$0x3FB2]  }
0x31: {  	[smem:$0x3FBB] =	sst s10  }
0x32: {  	s10 =	sld [smem:$0x3FB9];
	_ =	sdelay $0x3  }
0x33: {  	p0 =	seq.s32 s10, $0x1;
	s10 =	sld [smem:$0x3FBB];
	_ =	sdelay $0x3  }
0x34: {  	[smem:$0x3FBB] =	sst s10  }
0x35: {  	s10 =	sld [smem:$0x3FBA];
	_ =	sdelay $0x3  }
0x36: {  	p1 =	seq.s32 s10, $0x1;
	s10 =	sld [smem:$0x3FBB];
	_ =	sdelay $0x3  }
0x37: {  	[smem:$0x3FBB] =	sst s10  }
0x38: {  	s10 =	sld [smem:$0x3FBC]  }
0x39: {  	_ = 	snop;
	(pc) =	sbr.ind lr, $3  }
0x3a: {  	_ = 	snop  }
0x3b: {  	_ = 	snop  }
0x3c: {  	p2 =	seq.s32 s10, $0x1;
	s10 =	sld [smem:$0x3FBB]  }
0x3d: {  	_ =	shalt  }
0x3e: {  	_ =	shalt  }
0x3f: {  	_ =	shalt  }
0x40: {  	_ =	shalt  }
0x41: {  	_ =	shalt  }
0x42: {  	_ =	shalt  }
0x43: {  	_ =	shalt  }
0x44: {  	_ =	shalt  }
0x45: {  	_ =	shalt  }
0x46: {  	_ =	shalt  }
0x47: {  	_ =	shalt  }
0x48: {  	_ =	shalt  }
0x49: {  	_ =	shalt  }
0x4a: {  	_ =	shalt  }
0x4b: {  	_ =	shalt  }
0x4c: {  	_ =	shalt  }
0x4d: {  	_ =	shalt  }
0x4e: {  	_ =	shalt  }
0x4f: {  	_ =	shalt  }
0x50: {  	_ =	shalt  }
0x51: {  	_ =	shalt  }
0x52: {  	_ =	shalt  }
0x53: {  	_ =	shalt  }
0x54: {  	_ =	shalt  }
0x55: {  	_ =	shalt  }
0x56: {  	_ =	shalt  }
0x57: {  	_ =	shalt  }
0x58: {  	_ =	shalt  }
0x59: {  	_ =	shalt  }
0x5a: {  	_ =	shalt  }
0x5b: {  	_ =	shalt  }
0x5c: {  	_ =	shalt  }
0x5d: {  	_ =	shalt  }
0x5e: {  	_ =	shalt  }
0x5f: {  	_ =	shalt  }
0x60: {  	_ =	shalt  }
0x61: {  	_ =	shalt  }
0x62: {  	_ =	shalt  }
0x63: {  	_ =	shalt  }
0x64: {  	_ =	shalt  }
0x65: {  	_ =	shalt  }
0x66: {  	_ =	shalt  }
0x67: {  	_ =	shalt  }
0x68: {  	_ =	shalt  }
0x69: {  	_ =	shalt  }
0x6a: {  	_ =	shalt  }
0x6b: {  	_ =	shalt  }
0x6c: {  	_ =	shalt  }
0x6d: {  	_ =	shalt  }
0x6e: {  	_ =	shalt  }
0x6f: {  	_ =	shalt  }
0x70: {  	_ =	shalt  }
0x71: {  	_ =	shalt  }
0x72: {  	_ =	shalt  }
0x73: {  	_ =	shalt  }
0x74: {  	_ =	shalt  }
0x75: {  	_ =	shalt  }
0x76: {  	_ =	shalt  }
0x77: {  	_ =	shalt  }
0x78: {  	_ =	shalt  }
0x79: {  	_ =	shalt  }
0x7a: {  	_ =	shalt  }
0x7b: {  	_ =	shalt  }
0x7c: {  	_ =	shalt  }
0x7d: {  	_ =	shalt  }
0x7e: {  	_ =	shalt  }
0x7f: {  	_ =	shalt  }
0x80: {  	_ =	shalt  }
0x81: {  	_ =	shalt  }
0x82: {  	_ =	shalt  }
0x83: {  	_ =	shalt  }
0x84: {  	_ =	shalt  }
0x85: {  	_ =	shalt  }
0x86: {  	_ =	shalt  }
0x87: {  	_ =	shalt  }
.Lfunc_end0:
.L_simem_size_0:
called_computation_lowered:
.L_overlay_start_0:
0x88: {  	s2 =	sld [smem:$0x3FD9]  }
0x89: {  	s3 =	sld [smem:$0x3FFE];
	_ =	sdelay $0x1  }
0x8a: {  	s1 =	srdreg.scid  }
0x8b: {  	s0 =	sand.u32 $0x1, s1  }
0x8c: {  	s18 =	sshll.u32 s0, $0xA;
	s2 =	sadd.s32 s3, s2  }
0x8d: {  	s2 =	sadd.s32 s2, s18  }
0x8e: {  	[smem:$0x3FC7] =	sst s2  }
0x8f: {  	_ = 	snop  }
0x90: {  	s2 =	sld [smem:$0x3FC9]  }
0x91: {  	s19 =	sld [smem:$0x3FD0];
	(tm) =	ssettm $0x1  }
0x92: {  	s4 =	sld [smem:$0x3FFB];
	_ =	sdelay $0x3  }
0x93: {  	_ =	strace s4  }
0x94: {  	s4 =	sld [smem:$0x3FFC];
	_ =	sdelay $0x3  }
0x95: {  	_ =	strace s4  }
0x96: {  	s4 =	sld [smem:$0x3FFD];
	_ =	sdelay $0x3  }
0x97: {  	_ =	strace s4  }
0x98: {  	_ =	strace $0x8FFFFFFF  }
0x99: {  	s20 =	sld [smem:$0x3FDB];
	_ =	sdelay $0x1  }
0x9a: {  	s5 =	simm.s32 $_scs_section_size  }
0x9b: {  	s6 =	simm.s32 $_size__tile_overlayer_lowered;
	s7 =	simm.s32 $_tile_overlayer_lowered  }
0x9c: {  	s23 =	simm.s32 $0x1BFF;
	s22 =	sshll.u32 s7, $0x1;
	s4 =	sadd.s32 s5, s20  }
0x9d: {  	s8 =	simm.s32 $0x0;
	s21 =	sshll.u32 s6, $0x1;
	s6 =	sadd.s32 s22, s4  }
0x9e: {  	[timem:s8], [sflag:s23] =	dma.local [hbm:s6], s21  }
0x9f: {  	_ =	swait.ge [sflag:s23], s21  }
0xa0: {  	s5 =	ssub.s32 $0x0, s21;
	[sflag:s23] =	ssyncset.done $0x0  }
0xa1: {  	[sflag:s23] =	ssyncadd.s32 s5;
	_ =	sdelay $0x1  }
0xa2: {  	s24 =	simm.s32 $0x1B8B  }
0xa3: {  	_ =	swait.ge [sflag:s24], $0x1  }
0xa4: {  	[sflag:s24] =	ssyncset.done $0x0  }
0xa5: {  	s25 =	simm.s32 $0x1B8E;
	[sflag:s24] =	ssyncadd.s32 $0xFFFFFFFF  }
0xa6: {  	s26 =	simm.s32 $execute0_lowered;
	[smem:$0x3FD2] =	sst s25  }
0xa7: {  	s5 =	sshll.u32 s26, $0x1;
	_ =	strace $0x80000046;
	[dreg:$0x1] =	wrdreg $0xFFFFFFFF  }
0xa8: {  	s28 =	simm.s32 $_size_execute0_lowered;
	s4 =	sadd.s32 s4, s5;
	[dreg:$0x0] =	wrdreg $0x0  }
0xa9: {  	s5 =	sshll.u32 s28, $0x1;
	[dreg:$0x2] =	wrdreg s4  }
0xaa: {  	[dreg:$0x3] =	wrdreg s5  }
0xab: {  	[dreg:$0x4] =	wrdreg $0xC0  }
0xac: {  	_ =	task [dreg:s8], $0x5FFFF  }
0xad: {  	[dreg:$0x1] =	wrdreg $0xFFFFFFFF  }
0xae: {  	[dreg:$0x0] =	wrdreg $0x60  }
0xaf: {  	[dreg:$0x2] =	wrdreg s2  }
0xb0: {  	[dreg:$0x3] =	wrdreg s19  }
0xb1: {  	[dreg:$0x4] =	wrdreg $0x9  }
0xb2: {  	_ =	task.clear_ibuf [dreg:s8], $0x5FFFF;
	_ =	strace $0x90000046  }
0xb3: {  	s29 =	simm.s32 $0x9;
	_ =	strace $0x80000048  }
0xb4: {  	_ =	swait.ge [sflag:s29], $0x1  }
0xb5: {  	[sflag:s29] =	ssyncadd.s32 $0xFFFFFFFF  }
0xb6: {  	_ =	strace $0x90000048  }
0xb7: {  	_ =	sfence  }
0xb8: {  	s30 =	sld [smem:$0x0];
	_ =	sdelay $0x2  }
0xb9: {  	s31 =	sshll.u32 s1, $0xD;
	s1 =	sshrl.u32 s1, $0x2  }
0xba: {  	s3 =	sand.u32 $0x4000, s31;
	s1 =	sadd.s32 s1, s30  }
0xbb: {  	s0 =	sor.u32 s3, s0;
	s1 =	sshll.u32 s1, $0x11  }
0xbc: {  	s0 =	sor.u32 s1, s0  }
0xbd: {  	s0 =	sadd.s32 $0x8F2B, s0  }
0xbe: {  	[sflag:s0] =	ssyncadd.remote.s32 $0x1  }
0xbf: {  	_ =	sfence.sel $0xFFFF  }
0xc0: {  	[dreg:$0x0] =	wrdreg $0xFFFFFFFF;
	(pc) =	sbr.abs _section_cstart, $3  }
0xc1: {  	[dreg:$0x1] =	wrdreg $0xFFFFFFFF  }
0xc2: {  	_ =	task.clear_ibuf [dreg:s8], $0x2FFFF;
	_ =	strace $0x9FFFFFFF  }
0xc3: {  	(tm) =	ssettm $0x7FFFFFFF  }
tec
execute0_lowered:
.L_overlay_start_1:
0x0: {  	(tag) =	ssettag $0x1  }
0x1: {  	s4 =	rddreg [dreg:$0x0]  }
0x2: {  	s3 =	rddreg [dreg:$0x1]  }
0x3: {  	s0 =	rddreg [dreg:$0x2];
	s5 =	srdreg.scid  }
0x4: {  	s2 =	simm.s32 $0x0;
	s1 =	stileid.u32;
	s12 =	simm.s32 $0x2  }
0x5: {  	s13 =	simm.s32 $0x200;
	s14 =	simm.s32 $0x400;
	s15 =	simm.s32 $0x20000  }
0x6: {  	s16 =	simm.s32 $0x1;
	s17 =	simm.s32 $0x7E00;
	s18 =	simm.s32 $0xFE00  }
0x7: {  	s19 =	simm.s32 $0x17A00;
	s20 =	simm.s32 $0x0;
	s5 =	sand.u32 $0x1, s5  }
0x8: {  	[smem:$0x7FF] =	sst s2;
	s6 =	sshll.u32 s1, $0xA;
	s7 =	sshll.u32 s5, $0x9  }
0x9: {  	_ =	strace $0x80000047;
	s5 =	ssub.s32 $0x2, s5;
	s6 =	sor.u32 s7, s6  }
0xa: {  	v0 =	vlaneseq.u32;
	s31 =	sshrl.u32 s5, $0x1;
	s8 =	sshrl.u32 s6, $0x3;
	s3 =	sadd.s32 s3, s6  }
0xb: {  	v1 =	vimm.f32 $0.0e+00;
	v9 =	vimm.f32 $1.000000000e+00;
	v2 =	vor.u32 $0x10, v0;
	s11 =	ssub.s32 s5, s31;
	s4 =	sadd.s32 s4, s8;
	s5 =	sadd.s32 $0x7C000, s3  }
0xc: {  	v3 =	vor.u32 $0x20, v0;
	v4 =	vor.u32 $0x30, v0;
	v5 =	vor.u32 $0x40, v0;
	s6 =	sadd.s32 $0xFC000, s3;
	s7 =	sadd.s32 $0x178000, s3;
	s8 =	sadd.s32 $0x80, s3  }
0xd: {  	v6 =	vor.u32 $0x50, v0;
	v7 =	vor.u32 $0x60, v0;
	v8 =	vor.u32 $0x70, v0;
	s9 =	sadd.s32 $0x100, s3;
	s10 =	sadd.s32 $0x180, s3;
	s11 =	smax.u32 s11, $0x1  }
.LBB2_1:
0xe: {  	[tilespmem:s2], [sflag:$0x2] =	stream.linear.gather [hbm4b:s4+s2], $0x200, $0x38;
	[tilespmem:$0x1F600] =	vst v63  }
0xf: {  	s21 =	simm.s32 $0x0;
	s22 =	simm.s32 $0x200  }
.LBB2_2:
0x10: {  	p0 =	sne.s32 s22, $0x1EE00;
	[tilespmem:s21+$0x270] =	vst v1  }
0x11: {  	[tilespmem:s21+$0x200] =	vst v1  }
0x12: {  	[tilespmem:s21+$0x210] =	vst v1  }
.Ltmp0:
0x13: {  	[tilespmem:s21+$0x220] =	vst v1;
	(pc) =	sbr.rel @p0 .LBB2_2-.Ltmp0, $4  }
0x14: {  	[tilespmem:s21+$0x230] =	vst v1  }
0x15: {  	[tilespmem:s21+$0x240] =	vst v1  }
0x16: {  	[tilespmem:s21+$0x250] =	vst v1  }
0x17: {  	[tilespmem:s21+$0x260] =	vst v1;
	s21 =	sshra.s32 s22, $0x2;
	s22 =	sadd.s32 $0x200, s22  }
0x18: {  	[tilespmem:s21+$0x270] =	vst v1  }
0x19: {  	[tilespmem:s21+$0x200] =	vst v1  }
0x1a: {  	[tilespmem:s21+$0x210] =	vst v1  }
0x1b: {  	[tilespmem:s21+$0x220] =	vst v1  }
0x1c: {  	[tilespmem:s21+$0x230] =	vst v1  }
0x1d: {  	[tilespmem:s21+$0x240] =	vst v1  }
0x1e: {  	[tilespmem:s21+$0x250] =	vst v1  }
0x1f: {  	[tilespmem:s21+$0x260] =	vst v1  }
0x20: {  	_ =	swait.ge [sflag:s12], $0x200  }
0x21: {  	[sflag:s12] =	ssyncset.done $0x0  }
0x22: {  	[sflag:s12] =	ssyncadd.s32 $0xFFFFFE00  }
0x23: {  	v10 =	vld [tilespmem:$0x0];
	_ =	sdelay $0x4  }
0x24: {  	v11 =	vshll.u32 v10, $0x7  }
0x25: {  	v11 =	vor.u32 v0, v11;
	_ =	sdelay $0x2  }
0x26: {  	vm0 =	vlt.u32 v10, $0xF8  }
0x27: {  	v10 =	vsel vm0, $0x3F800000, v1  }
0x28: {  	[tilespmem:v11+s13+$0x0] =	vst.idx.msk $0xffff, v10  }
0x29: {  	v10 =	vld [tilespmem:$0x10];
	_ =	sdelay $0x4  }
0x2a: {  	v11 =	vshll.u32 v10, $0x7  }
0x2b: {  	v11 =	vor.u32 v2, v11;
	_ =	sdelay $0x2  }
0x2c: {  	vm9 =	vlt.u32 v10, $0xF8  }
0x2d: {  	v10 =	vsel vm9, $0x3F800000, v1  }
0x2e: {  	[tilespmem:v11+s13+$0x0] =	vst.idx.msk $0xffff, v10  }
0x2f: {  	v10 =	vld [tilespmem:$0x20];
	_ =	sdelay $0x4  }
0x30: {  	v11 =	vshll.u32 v10, $0x7  }
0x31: {  	v11 =	vor.u32 v3, v11;
	_ =	sdelay $0x2  }
0x32: {  	vm10 =	vlt.u32 v10, $0xF8  }
0x33: {  	v10 =	vsel vm10, $0x3F800000, v1  }
0x34: {  	[tilespmem:v11+s13+$0x0] =	vst.idx.msk $0xffff, v10  }
0x35: {  	v10 =	vld [tilespmem:$0x30];
	_ =	sdelay $0x4  }
0x36: {  	v11 =	vshll.u32 v10, $0x7  }
0x37: {  	v11 =	vor.u32 v4, v11;
	_ =	sdelay $0x2  }
0x38: {  	vm11 =	vlt.u32 v10, $0xF8  }
0x39: {  	v10 =	vsel vm11, $0x3F800000, v1  }
0x3a: {  	[tilespmem:v11+s13+$0x0] =	vst.idx.msk $0xffff, v10  }
0x3b: {  	v10 =	vld [tilespmem:$0x40];
	_ =	sdelay $0x4  }
0x3c: {  	v11 =	vshll.u32 v10, $0x7  }
0x3d: {  	v11 =	vor.u32 v5, v11;
	_ =	sdelay $0x2  }
0x3e: {  	vm12 =	vlt.u32 v10, $0xF8  }
0x3f: {  	v10 =	vsel vm12, $0x3F800000, v1  }
0x40: {  	[tilespmem:v11+s13+$0x0] =	vst.idx.msk $0xffff, v10  }
0x41: {  	v10 =	vld [tilespmem:$0x50];
	_ =	sdelay $0x4  }
0x42: {  	v11 =	vshll.u32 v10, $0x7  }
0x43: {  	v11 =	vor.u32 v6, v11;
	_ =	sdelay $0x2  }
0x44: {  	vm13 =	vlt.u32 v10, $0xF8  }
0x45: {  	v10 =	vsel vm13, $0x3F800000, v1  }
0x46: {  	[tilespmem:v11+s13+$0x0] =	vst.idx.msk $0xffff, v10  }
0x47: {  	v10 =	vld [tilespmem:$0x60];
	_ =	sdelay $0x4  }
0x48: {  	v11 =	vshll.u32 v10, $0x7  }
0x49: {  	v11 =	vor.u32 v7, v11;
	_ =	sdelay $0x2  }
0x4a: {  	vm14 =	vlt.u32 v10, $0xF8  }
0x4b: {  	v10 =	vsel vm14, $0x3F800000, v1  }
0x4c: {  	[tilespmem:v11+s13+$0x0] =	vst.idx.msk $0xffff, v10  }
0x4d: {  	v10 =	vld [tilespmem:$0x70];
	_ =	sdelay $0x4  }
0x4e: {  	v11 =	vshll.u32 v10, $0x7  }
0x4f: {  	v11 =	vor.u32 v8, v11;
	_ =	sdelay $0x2  }
0x50: {  	vm15 =	vlt.u32 v10, $0xF8  }
0x51: {  	v10 =	vsel vm15, $0x3F800000, v1  }
0x52: {  	s21 =	simm.s32 $0x0;
	s22 =	simm.s32 $0x200;
	[tilespmem:v11+s13+$0x0] =	vst.idx.msk $0xffff, v10  }
0x53: {  	[hbm4b:s3+s14] =	stream.strided.scatter [tilespmem:s13], [sflag:$0x1], $0x7C00, s15, s14, $0x38;
	[tilespmem:$0x1F600] =	vst v63  }
.LBB2_4:
0x54: {  	p0 =	sne.s32 s22, $0x1FE00;
	[tilespmem:s21+$0x7E70] =	vst v1  }
0x55: {  	[tilespmem:s21+$0x7E00] =	vst v1  }
0x56: {  	[tilespmem:s21+$0x7E10] =	vst v1  }
.Ltmp1:
0x57: {  	[tilespmem:s21+$0x7E20] =	vst v1;
	(pc) =	sbr.rel @p0 .LBB2_4-.Ltmp1, $4  }
0x58: {  	[tilespmem:s21+$0x7E30] =	vst v1  }
0x59: {  	[tilespmem:s21+$0x7E40] =	vst v1  }
0x5a: {  	[tilespmem:s21+$0x7E50] =	vst v1  }
0x5b: {  	[tilespmem:s21+$0x7E60] =	vst v1;
	s21 =	sshra.s32 s22, $0x2;
	s22 =	sadd.s32 $0x200, s22  }
0x5c: {  	[tilespmem:s21+$0x7E70] =	vst v1  }
0x5d: {  	[tilespmem:s21+$0x7E00] =	vst v1  }
0x5e: {  	[tilespmem:s21+$0x7E10] =	vst v1  }
0x5f: {  	[tilespmem:s21+$0x7E20] =	vst v1  }
0x60: {  	[tilespmem:s21+$0x7E30] =	vst v1  }
0x61: {  	[tilespmem:s21+$0x7E40] =	vst v1  }
0x62: {  	[tilespmem:s21+$0x7E50] =	vst v1  }
0x63: {  	[tilespmem:s21+$0x7E60] =	vst v1  }
0x64: {  	_ =	swait.ge [sflag:s16], $0x7C00  }
0x65: {  	[sflag:s16] =	ssyncset.done $0x0  }
0x66: {  	[sflag:s16] =	ssyncadd.s32 $0xFFFF8400  }
0x67: {  	v10 =	vld [tilespmem:$0x0];
	_ =	sdelay $0x4  }
0x68: {  	v11 =	vshll.u32 v10, $0x7  }
0x69: {  	v11 =	vor.u32 v0, v11;
	_ =	sdelay $0x1  }
0x6a: {  	v10 =	vadd.s32 $0xFFFFFF08, v10  }
0x6b: {  	vm0 =	vlt.u32 v10, $0x100  }
0x6c: {  	v10 =	vsel vm0, $0x3F800000, v1  }
0x6d: {  	[tilespmem:v11+s13+$0x0] =	vst.idx.msk $0xffff, v10  }
0x6e: {  	v10 =	vld [tilespmem:$0x10];
	_ =	sdelay $0x4  }
0x6f: {  	v11 =	vshll.u32 v10, $0x7  }
0x70: {  	v11 =	vor.u32 v2, v11;
	_ =	sdelay $0x1  }
0x71: {  	v10 =	vadd.s32 $0xFFFFFF08, v10  }
0x72: {  	vm9 =	vlt.u32 v10, $0x100  }
0x73: {  	v10 =	vsel vm9, $0x3F800000, v1  }
0x74: {  	[tilespmem:v11+s13+$0x0] =	vst.idx.msk $0xffff, v10  }
0x75: {  	v10 =	vld [tilespmem:$0x20];
	_ =	sdelay $0x4  }
0x76: {  	v11 =	vshll.u32 v10, $0x7  }
0x77: {  	v11 =	vor.u32 v3, v11;
	_ =	sdelay $0x1  }
0x78: {  	v10 =	vadd.s32 $0xFFFFFF08, v10  }
0x79: {  	vm10 =	vlt.u32 v10, $0x100  }
0x7a: {  	v10 =	vsel vm10, $0x3F800000, v1  }
0x7b: {  	[tilespmem:v11+s13+$0x0] =	vst.idx.msk $0xffff, v10  }
0x7c: {  	v10 =	vld [tilespmem:$0x30];
	_ =	sdelay $0x4  }
0x7d: {  	v11 =	vshll.u32 v10, $0x7  }
0x7e: {  	v11 =	vor.u32 v4, v11;
	_ =	sdelay $0x1  }
0x7f: {  	v10 =	vadd.s32 $0xFFFFFF08, v10  }
0x80: {  	vm11 =	vlt.u32 v10, $0x100  }
0x81: {  	v10 =	vsel vm11, $0x3F800000, v1  }
0x82: {  	[tilespmem:v11+s13+$0x0] =	vst.idx.msk $0xffff, v10  }
0x83: {  	v10 =	vld [tilespmem:$0x40];
	_ =	sdelay $0x4  }
0x84: {  	v11 =	vshll.u32 v10, $0x7  }
0x85: {  	v11 =	vor.u32 v5, v11;
	_ =	sdelay $0x1  }
0x86: {  	v10 =	vadd.s32 $0xFFFFFF08, v10  }
0x87: {  	vm12 =	vlt.u32 v10, $0x100  }
0x88: {  	v10 =	vsel vm12, $0x3F800000, v1  }
0x89: {  	[tilespmem:v11+s13+$0x0] =	vst.idx.msk $0xffff, v10  }
0x8a: {  	v10 =	vld [tilespmem:$0x50];
	_ =	sdelay $0x4  }
0x8b: {  	v11 =	vshll.u32 v10, $0x7  }
0x8c: {  	v11 =	vor.u32 v6, v11;
	_ =	sdelay $0x1  }
0x8d: {  	v10 =	vadd.s32 $0xFFFFFF08, v10  }
0x8e: {  	vm13 =	vlt.u32 v10, $0x100  }
0x8f: {  	v10 =	vsel vm13, $0x3F800000, v1  }
0x90: {  	[tilespmem:v11+s13+$0x0] =	vst.idx.msk $0xffff, v10  }
0x91: {  	v10 =	vld [tilespmem:$0x60];
	_ =	sdelay $0x4  }
0x92: {  	v11 =	vshll.u32 v10, $0x7  }
0x93: {  	v11 =	vor.u32 v7, v11;
	_ =	sdelay $0x1  }
0x94: {  	v10 =	vadd.s32 $0xFFFFFF08, v10  }
0x95: {  	vm14 =	vlt.u32 v10, $0x100  }
0x96: {  	v10 =	vsel vm14, $0x3F800000, v1  }
0x97: {  	[tilespmem:v11+s13+$0x0] =	vst.idx.msk $0xffff, v10  }
0x98: {  	v10 =	vld [tilespmem:$0x70];
	_ =	sdelay $0x4  }
0x99: {  	v11 =	vshll.u32 v10, $0x7  }
0x9a: {  	v11 =	vor.u32 v8, v11;
	_ =	sdelay $0x1  }
0x9b: {  	v10 =	vadd.s32 $0xFFFFFF08, v10  }
0x9c: {  	vm15 =	vlt.u32 v10, $0x100  }
0x9d: {  	v10 =	vsel vm15, $0x3F800000, v1  }
0x9e: {  	s21 =	simm.s32 $0x0;
	s22 =	simm.s32 $0x200;
	[tilespmem:v11+s13+$0x0] =	vst.idx.msk $0xffff, v10  }
0x9f: {  	[hbm4b:s5+s14] =	stream.strided.scatter [tilespmem:s17], [sflag:$0x1], $0x8000, s15, s14, $0x38;
	[tilespmem:$0x1F600] =	vst v63  }
.LBB2_6:
0xa0: {  	p0 =	sne.s32 s22, $0x1EE00;
	[tilespmem:s21+$0xFE70] =	vst v1  }
0xa1: {  	[tilespmem:s21+$0xFE00] =	vst v1  }
0xa2: {  	[tilespmem:s21+$0xFE10] =	vst v1  }
.Ltmp2:
0xa3: {  	[tilespmem:s21+$0xFE20] =	vst v1;
	(pc) =	sbr.rel @p0 .LBB2_6-.Ltmp2, $4  }
0xa4: {  	[tilespmem:s21+$0xFE30] =	vst v1  }
0xa5: {  	[tilespmem:s21+$0xFE40] =	vst v1  }
0xa6: {  	[tilespmem:s21+$0xFE50] =	vst v1  }
0xa7: {  	[tilespmem:s21+$0xFE60] =	vst v1;
	s21 =	sshra.s32 s22, $0x2;
	s22 =	sadd.s32 $0x200, s22  }
0xa8: {  	[tilespmem:s21+$0xFE70] =	vst v1  }
0xa9: {  	[tilespmem:s21+$0xFE00] =	vst v1  }
0xaa: {  	[tilespmem:s21+$0xFE10] =	vst v1  }
0xab: {  	[tilespmem:s21+$0xFE20] =	vst v1  }
0xac: {  	[tilespmem:s21+$0xFE30] =	vst v1  }
0xad: {  	[tilespmem:s21+$0xFE40] =	vst v1  }
0xae: {  	[tilespmem:s21+$0xFE50] =	vst v1  }
0xaf: {  	[tilespmem:s21+$0xFE60] =	vst v1  }
0xb0: {  	_ =	swait.ge [sflag:s16], $0x8000  }
0xb1: {  	[sflag:s16] =	ssyncset.done $0x0  }
0xb2: {  	[sflag:s16] =	ssyncadd.s32 $0xFFFF8000  }
0xb3: {  	v10 =	vld [tilespmem:$0x0];
	_ =	sdelay $0x4  }
0xb4: {  	v11 =	vshll.u32 v10, $0x7  }
0xb5: {  	v11 =	vor.u32 v0, v11;
	_ =	sdelay $0x1  }
0xb6: {  	v10 =	vadd.s32 $0xFFFFFE08, v10  }
0xb7: {  	vm0 =	vlt.u32 v10, $0xF8  }
0xb8: {  	v10 =	vsel vm0, $0x3F800000, v1  }
0xb9: {  	[tilespmem:v11+s13+$0x0] =	vst.idx.msk $0xffff, v10  }
0xba: {  	v10 =	vld [tilespmem:$0x10];
	_ =	sdelay $0x4  }
0xbb: {  	v11 =	vshll.u32 v10, $0x7  }
0xbc: {  	v11 =	vor.u32 v2, v11;
	_ =	sdelay $0x1  }
0xbd: {  	v10 =	vadd.s32 $0xFFFFFE08, v10  }
0xbe: {  	vm9 =	vlt.u32 v10, $0xF8  }
0xbf: {  	v10 =	vsel vm9, $0x3F800000, v1  }
0xc0: {  	[tilespmem:v11+s13+$0x0] =	vst.idx.msk $0xffff, v10  }
0xc1: {  	v10 =	vld [tilespmem:$0x20];
	_ =	sdelay $0x4  }
0xc2: {  	v11 =	vshll.u32 v10, $0x7  }
0xc3: {  	v11 =	vor.u32 v3, v11;
	_ =	sdelay $0x1  }
0xc4: {  	v10 =	vadd.s32 $0xFFFFFE08, v10  }
0xc5: {  	vm10 =	vlt.u32 v10, $0xF8  }
0xc6: {  	v10 =	vsel vm10, $0x3F800000, v1  }
0xc7: {  	[tilespmem:v11+s13+$0x0] =	vst.idx.msk $0xffff, v10  }
0xc8: {  	v10 =	vld [tilespmem:$0x30];
	_ =	sdelay $0x4  }
0xc9: {  	v11 =	vshll.u32 v10, $0x7  }
0xca: {  	v11 =	vor.u32 v4, v11;
	_ =	sdelay $0x1  }
0xcb: {  	v10 =	vadd.s32 $0xFFFFFE08, v10  }
0xcc: {  	vm11 =	vlt.u32 v10, $0xF8  }
0xcd: {  	v10 =	vsel vm11, $0x3F800000, v1  }
0xce: {  	[tilespmem:v11+s13+$0x0] =	vst.idx.msk $0xffff, v10  }
0xcf: {  	v10 =	vld [tilespmem:$0x40];
	_ =	sdelay $0x4  }
0xd0: {  	v11 =	vshll.u32 v10, $0x7  }
0xd1: {  	v11 =	vor.u32 v5, v11;
	_ =	sdelay $0x1  }
0xd2: {  	v10 =	vadd.s32 $0xFFFFFE08, v10  }
0xd3: {  	vm12 =	vlt.u32 v10, $0xF8  }
0xd4: {  	v10 =	vsel vm12, $0x3F800000, v1  }
0xd5: {  	[tilespmem:v11+s13+$0x0] =	vst.idx.msk $0xffff, v10  }
0xd6: {  	v10 =	vld [tilespmem:$0x50];
	_ =	sdelay $0x4  }
0xd7: {  	v11 =	vshll.u32 v10, $0x7  }
0xd8: {  	v11 =	vor.u32 v6, v11;
	_ =	sdelay $0x1  }
0xd9: {  	v10 =	vadd.s32 $0xFFFFFE08, v10  }
0xda: {  	vm13 =	vlt.u32 v10, $0xF8  }
0xdb: {  	v10 =	vsel vm13, $0x3F800000, v1  }
0xdc: {  	[tilespmem:v11+s13+$0x0] =	vst.idx.msk $0xffff, v10  }
0xdd: {  	v10 =	vld [tilespmem:$0x60];
	_ =	sdelay $0x4  }
0xde: {  	v11 =	vshll.u32 v10, $0x7  }
0xdf: {  	v11 =	vor.u32 v7, v11;
	_ =	sdelay $0x1  }
0xe0: {  	v10 =	vadd.s32 $0xFFFFFE08, v10  }
0xe1: {  	vm14 =	vlt.u32 v10, $0xF8  }
0xe2: {  	v10 =	vsel vm14, $0x3F800000, v1  }
0xe3: {  	[tilespmem:v11+s13+$0x0] =	vst.idx.msk $0xffff, v10  }
0xe4: {  	v10 =	vld [tilespmem:$0x70];
	_ =	sdelay $0x4  }
0xe5: {  	v11 =	vshll.u32 v10, $0x7  }
0xe6: {  	v11 =	vor.u32 v8, v11;
	_ =	sdelay $0x1  }
0xe7: {  	v10 =	vadd.s32 $0xFFFFFE08, v10  }
0xe8: {  	vm15 =	vlt.u32 v10, $0xF8  }
0xe9: {  	v10 =	vsel vm15, $0x3F800000, v1  }
0xea: {  	s21 =	simm.s32 $0x0;
	s22 =	simm.s32 $0x200;
	[tilespmem:v11+s13+$0x0] =	vst.idx.msk $0xffff, v10  }
0xeb: {  	[hbm4b:s6+s14] =	stream.strided.scatter [tilespmem:s18], [sflag:$0x1], $0x7C00, s15, s14, $0x38;
	[tilespmem:$0x1F600] =	vst v63  }
.LBB2_8:
0xec: {  	p0 =	sne.s32 s22, $0x1EE00;
	[tilespmem:s21+$0x17A70] =	vst v1  }
0xed: {  	[tilespmem:s21+$0x17A00] =	vst v1  }
0xee: {  	[tilespmem:s21+$0x17A10] =	vst v1  }
.Ltmp3:
0xef: {  	[tilespmem:s21+$0x17A20] =	vst v1;
	(pc) =	sbr.rel @p0 .LBB2_8-.Ltmp3, $4  }
0xf0: {  	[tilespmem:s21+$0x17A30] =	vst v1  }
0xf1: {  	[tilespmem:s21+$0x17A40] =	vst v1  }
0xf2: {  	[tilespmem:s21+$0x17A50] =	vst v1  }
0xf3: {  	[tilespmem:s21+$0x17A60] =	vst v1;
	s21 =	sshra.s32 s22, $0x2;
	s22 =	sadd.s32 $0x200, s22  }
0xf4: {  	[tilespmem:s21+$0x17A70] =	vst v1  }
0xf5: {  	[tilespmem:s21+$0x17A00] =	vst v1  }
0xf6: {  	[tilespmem:s21+$0x17A10] =	vst v1  }
0xf7: {  	[tilespmem:s21+$0x17A20] =	vst v1  }
0xf8: {  	[tilespmem:s21+$0x17A30] =	vst v1  }
0xf9: {  	[tilespmem:s21+$0x17A40] =	vst v1  }
0xfa: {  	[tilespmem:s21+$0x17A50] =	vst v1  }
0xfb: {  	[tilespmem:s21+$0x17A60] =	vst v1  }
0xfc: {  	_ =	swait.ge [sflag:s16], $0x7C00  }
0xfd: {  	[sflag:s16] =	ssyncset.done $0x0  }
0xfe: {  	[sflag:s16] =	ssyncadd.s32 $0xFFFF8400  }
0xff: {  	v10 =	vld [tilespmem:$0x0];
	_ =	sdelay $0x4  }
0x100: {  	v11 =	vshll.u32 v10, $0x7  }
0x101: {  	v11 =	vor.u32 v0, v11;
	_ =	sdelay $0x1  }
0x102: {  	v10 =	vadd.s32 $0xFFFFFD10, v10  }
0x103: {  	vm0 =	vlt.u32 v10, $0xF8  }
0x104: {  	v10 =	vsel vm0, $0x3F800000, v1  }
0x105: {  	[tilespmem:v11+s13+$0x0] =	vst.idx.msk $0xffff, v10  }
0x106: {  	v10 =	vld [tilespmem:$0x10];
	_ =	sdelay $0x4  }
0x107: {  	v11 =	vshll.u32 v10, $0x7  }
0x108: {  	v11 =	vor.u32 v2, v11;
	_ =	sdelay $0x1  }
0x109: {  	v10 =	vadd.s32 $0xFFFFFD10, v10  }
0x10a: {  	vm9 =	vlt.u32 v10, $0xF8  }
0x10b: {  	v10 =	vsel vm9, $0x3F800000, v1  }
0x10c: {  	[tilespmem:v11+s13+$0x0] =	vst.idx.msk $0xffff, v10  }
0x10d: {  	v10 =	vld [tilespmem:$0x20];
	_ =	sdelay $0x4  }
0x10e: {  	v11 =	vshll.u32 v10, $0x7  }
0x10f: {  	v11 =	vor.u32 v3, v11;
	_ =	sdelay $0x1  }
0x110: {  	v10 =	vadd.s32 $0xFFFFFD10, v10  }
0x111: {  	vm10 =	vlt.u32 v10, $0xF8  }
0x112: {  	v10 =	vsel vm10, $0x3F800000, v1  }
0x113: {  	[tilespmem:v11+s13+$0x0] =	vst.idx.msk $0xffff, v10  }
0x114: {  	v10 =	vld [tilespmem:$0x30];
	_ =	sdelay $0x4  }
0x115: {  	v11 =	vshll.u32 v10, $0x7  }
0x116: {  	v11 =	vor.u32 v4, v11;
	_ =	sdelay $0x1  }
0x117: {  	v10 =	vadd.s32 $0xFFFFFD10, v10  }
0x118: {  	vm11 =	vlt.u32 v10, $0xF8  }
0x119: {  	v10 =	vsel vm11, $0x3F800000, v1  }
0x11a: {  	[tilespmem:v11+s13+$0x0] =	vst.idx.msk $0xffff, v10  }
0x11b: {  	v10 =	vld [tilespmem:$0x40];
	_ =	sdelay $0x4  }
0x11c: {  	v11 =	vshll.u32 v10, $0x7  }
0x11d: {  	v11 =	vor.u32 v5, v11;
	_ =	sdelay $0x1  }
0x11e: {  	v10 =	vadd.s32 $0xFFFFFD10, v10  }
0x11f: {  	vm12 =	vlt.u32 v10, $0xF8  }
0x120: {  	v10 =	vsel vm12, $0x3F800000, v1  }
0x121: {  	[tilespmem:v11+s13+$0x0] =	vst.idx.msk $0xffff, v10  }
0x122: {  	v10 =	vld [tilespmem:$0x50];
	_ =	sdelay $0x4  }
0x123: {  	v11 =	vshll.u32 v10, $0x7  }
0x124: {  	v11 =	vor.u32 v6, v11;
	_ =	sdelay $0x1  }
0x125: {  	v10 =	vadd.s32 $0xFFFFFD10, v10  }
0x126: {  	vm13 =	vlt.u32 v10, $0xF8  }
0x127: {  	v10 =	vsel vm13, $0x3F800000, v1  }
0x128: {  	[tilespmem:v11+s13+$0x0] =	vst.idx.msk $0xffff, v10  }
0x129: {  	v10 =	vld [tilespmem:$0x60];
	_ =	sdelay $0x4  }
0x12a: {  	v11 =	vshll.u32 v10, $0x7  }
0x12b: {  	v11 =	vor.u32 v7, v11;
	_ =	sdelay $0x1  }
0x12c: {  	v10 =	vadd.s32 $0xFFFFFD10, v10  }
0x12d: {  	vm14 =	vlt.u32 v10, $0xF8  }
0x12e: {  	v10 =	vsel vm14, $0x3F800000, v1  }
0x12f: {  	[tilespmem:v11+s13+$0x0] =	vst.idx.msk $0xffff, v10  }
0x130: {  	v10 =	vld [tilespmem:$0x70];
	_ =	sdelay $0x4  }
0x131: {  	v11 =	vshll.u32 v10, $0x7  }
0x132: {  	v11 =	vor.u32 v8, v11;
	_ =	sdelay $0x1  }
0x133: {  	v10 =	vadd.s32 $0xFFFFFD10, v10  }
0x134: {  	vm15 =	vlt.u32 v10, $0xF8  }
0x135: {  	v10 =	vsel vm15, $0x3F800000, v1  }
0x136: {  	[tilespmem:v11+s13+$0x0] =	vst.idx.msk $0xffff, v10  }
0x137: {  	[hbm4b:s7+s14] =	stream.strided.scatter [tilespmem:s19], [sflag:$0x1], $0x7C00, s15, s14, $0x38;
	[tilespmem:$0x1F600] =	vst v63  }
0x138: {  	_ =	swait.ge [sflag:s16], $0x7C00  }
0x139: {  	[sflag:s16] =	ssyncset.done $0x0  }
0x13a: {  	[sflag:s16] =	ssyncadd.s32 $0xFFFF8400  }
0x13b: {  	v10 =	vld [tilespmem:$0x0];
	_ =	sdelay $0x4  }
0x13c: {  	v10 =	vshll.u32 v10, $0x7  }
0x13d: {  	v10 =	vor.u32 v0, v10;
	_ =	sdelay $0x4  }
0x13e: {  	[tilespmem:v10+s13+$0x0] =	vst.idx.msk $0xffff, v1  }
0x13f: {  	v10 =	vld [tilespmem:$0x10];
	_ =	sdelay $0x4  }
0x140: {  	v10 =	vshll.u32 v10, $0x7  }
0x141: {  	v10 =	vor.u32 v2, v10;
	_ =	sdelay $0x4  }
0x142: {  	[tilespmem:v10+s13+$0x0] =	vst.idx.msk $0xffff, v1  }
0x143: {  	v10 =	vld [tilespmem:$0x20];
	_ =	sdelay $0x4  }
0x144: {  	v10 =	vshll.u32 v10, $0x7  }
0x145: {  	v10 =	vor.u32 v3, v10;
	_ =	sdelay $0x4  }
0x146: {  	[tilespmem:v10+s13+$0x0] =	vst.idx.msk $0xffff, v1  }
0x147: {  	v10 =	vld [tilespmem:$0x30];
	_ =	sdelay $0x4  }
0x148: {  	v10 =	vshll.u32 v10, $0x7  }
0x149: {  	v10 =	vor.u32 v4, v10;
	_ =	sdelay $0x4  }
0x14a: {  	[tilespmem:v10+s13+$0x0] =	vst.idx.msk $0xffff, v1  }
0x14b: {  	v10 =	vld [tilespmem:$0x40];
	_ =	sdelay $0x4  }
0x14c: {  	v10 =	vshll.u32 v10, $0x7  }
0x14d: {  	v10 =	vor.u32 v5, v10;
	_ =	sdelay $0x4  }
0x14e: {  	[tilespmem:v10+s13+$0x0] =	vst.idx.msk $0xffff, v1  }
0x14f: {  	v10 =	vld [tilespmem:$0x50];
	_ =	sdelay $0x4  }
0x150: {  	v10 =	vshll.u32 v10, $0x7  }
0x151: {  	v10 =	vor.u32 v6, v10;
	_ =	sdelay $0x4  }
0x152: {  	[tilespmem:v10+s13+$0x0] =	vst.idx.msk $0xffff, v1  }
0x153: {  	v10 =	vld [tilespmem:$0x60];
	_ =	sdelay $0x4  }
0x154: {  	v10 =	vshll.u32 v10, $0x7  }
0x155: {  	v10 =	vor.u32 v7, v10;
	_ =	sdelay $0x4  }
0x156: {  	[tilespmem:v10+s13+$0x0] =	vst.idx.msk $0xffff, v1  }
0x157: {  	v10 =	vld [tilespmem:$0x70];
	_ =	sdelay $0x4  }
0x158: {  	v10 =	vshll.u32 v10, $0x7  }
0x159: {  	v10 =	vor.u32 v8, v10;
	_ =	sdelay $0x4  }
0x15a: {  	[tilespmem:v10+s13+$0x0] =	vst.idx.msk $0xffff, v1  }
0x15b: {  	v10 =	vld [tilespmem:$0x80];
	_ =	sdelay $0x4  }
0x15c: {  	v10 =	vshll.u32 v10, $0x7  }
0x15d: {  	v10 =	vor.u32 v0, v10;
	_ =	sdelay $0x4  }
0x15e: {  	[tilespmem:v10+s13+$0x0] =	vst.idx.msk $0xffff, v9  }
0x15f: {  	v10 =	vld [tilespmem:$0x90];
	_ =	sdelay $0x4  }
0x160: {  	v10 =	vshll.u32 v10, $0x7  }
0x161: {  	v10 =	vor.u32 v2, v10;
	_ =	sdelay $0x4  }
0x162: {  	[tilespmem:v10+s13+$0x0] =	vst.idx.msk $0xffff, v9  }
0x163: {  	v10 =	vld [tilespmem:$0xA0];
	_ =	sdelay $0x4  }
0x164: {  	v10 =	vshll.u32 v10, $0x7  }
0x165: {  	v10 =	vor.u32 v3, v10;
	_ =	sdelay $0x4  }
0x166: {  	[tilespmem:v10+s13+$0x0] =	vst.idx.msk $0xffff, v9  }
0x167: {  	v10 =	vld [tilespmem:$0xB0];
	_ =	sdelay $0x4  }
0x168: {  	v10 =	vshll.u32 v10, $0x7  }
0x169: {  	v10 =	vor.u32 v4, v10;
	_ =	sdelay $0x4  }
0x16a: {  	[tilespmem:v10+s13+$0x0] =	vst.idx.msk $0xffff, v9  }
0x16b: {  	v10 =	vld [tilespmem:$0xC0];
	_ =	sdelay $0x4  }
0x16c: {  	v10 =	vshll.u32 v10, $0x7  }
0x16d: {  	v10 =	vor.u32 v5, v10;
	_ =	sdelay $0x4  }
0x16e: {  	[tilespmem:v10+s13+$0x0] =	vst.idx.msk $0xffff, v9  }
0x16f: {  	v10 =	vld [tilespmem:$0xD0];
	_ =	sdelay $0x4  }
0x170: {  	v10 =	vshll.u32 v10, $0x7  }
0x171: {  	v10 =	vor.u32 v6, v10;
	_ =	sdelay $0x4  }
0x172: {  	[tilespmem:v10+s13+$0x0] =	vst.idx.msk $0xffff, v9  }
0x173: {  	v10 =	vld [tilespmem:$0xE0];
	_ =	sdelay $0x4  }
0x174: {  	v10 =	vshll.u32 v10, $0x7  }
0x175: {  	v10 =	vor.u32 v7, v10;
	_ =	sdelay $0x4  }
0x176: {  	[tilespmem:v10+s13+$0x0] =	vst.idx.msk $0xffff, v9  }
0x177: {  	v10 =	vld [tilespmem:$0xF0];
	_ =	sdelay $0x4  }
0x178: {  	v10 =	vshll.u32 v10, $0x7  }
0x179: {  	v10 =	vor.u32 v8, v10;
	_ =	sdelay $0x4  }
0x17a: {  	[tilespmem:v10+s13+$0x0] =	vst.idx.msk $0xffff, v9  }
0x17b: {  	[hbm4b:s8+s14] =	stream.strided.scatter [tilespmem:s13], [sflag:$0x1], $0x1F400, s15, s14, $0x38;
	[tilespmem:$0x1F600] =	vst v63  }
0x17c: {  	_ =	swait.ge [sflag:s16], $0x1F400  }
0x17d: {  	[sflag:s16] =	ssyncset.done $0x0  }
0x17e: {  	[sflag:s16] =	ssyncadd.s32 $0xFFFE0C00  }
0x17f: {  	v10 =	vld [tilespmem:$0x80];
	_ =	sdelay $0x4  }
0x180: {  	v10 =	vshll.u32 v10, $0x7  }
0x181: {  	v10 =	vor.u32 v0, v10;
	_ =	sdelay $0x4  }
0x182: {  	[tilespmem:v10+s13+$0x0] =	vst.idx.msk $0xffff, v1  }
0x183: {  	v10 =	vld [tilespmem:$0x90];
	_ =	sdelay $0x4  }
0x184: {  	v10 =	vshll.u32 v10, $0x7  }
0x185: {  	v10 =	vor.u32 v2, v10;
	_ =	sdelay $0x4  }
0x186: {  	[tilespmem:v10+s13+$0x0] =	vst.idx.msk $0xffff, v1  }
0x187: {  	v10 =	vld [tilespmem:$0xA0];
	_ =	sdelay $0x4  }
0x188: {  	v10 =	vshll.u32 v10, $0x7  }
0x189: {  	v10 =	vor.u32 v3, v10;
	_ =	sdelay $0x4  }
0x18a: {  	[tilespmem:v10+s13+$0x0] =	vst.idx.msk $0xffff, v1  }
0x18b: {  	v10 =	vld [tilespmem:$0xB0];
	_ =	sdelay $0x4  }
0x18c: {  	v10 =	vshll.u32 v10, $0x7  }
0x18d: {  	v10 =	vor.u32 v4, v10;
	_ =	sdelay $0x4  }
0x18e: {  	[tilespmem:v10+s13+$0x0] =	vst.idx.msk $0xffff, v1  }
0x18f: {  	v10 =	vld [tilespmem:$0xC0];
	_ =	sdelay $0x4  }
0x190: {  	v10 =	vshll.u32 v10, $0x7  }
0x191: {  	v10 =	vor.u32 v5, v10;
	_ =	sdelay $0x4  }
0x192: {  	[tilespmem:v10+s13+$0x0] =	vst.idx.msk $0xffff, v1  }
0x193: {  	v10 =	vld [tilespmem:$0xD0];
	_ =	sdelay $0x4  }
0x194: {  	v10 =	vshll.u32 v10, $0x7  }
0x195: {  	v10 =	vor.u32 v6, v10;
	_ =	sdelay $0x4  }
0x196: {  	[tilespmem:v10+s13+$0x0] =	vst.idx.msk $0xffff, v1  }
0x197: {  	v10 =	vld [tilespmem:$0xE0];
	_ =	sdelay $0x4  }
0x198: {  	v10 =	vshll.u32 v10, $0x7  }
0x199: {  	v10 =	vor.u32 v7, v10;
	_ =	sdelay $0x4  }
0x19a: {  	[tilespmem:v10+s13+$0x0] =	vst.idx.msk $0xffff, v1  }
0x19b: {  	v10 =	vld [tilespmem:$0xF0];
	_ =	sdelay $0x4  }
0x19c: {  	v10 =	vshll.u32 v10, $0x7  }
0x19d: {  	v10 =	vor.u32 v8, v10;
	_ =	sdelay $0x4  }
0x19e: {  	[tilespmem:v10+s13+$0x0] =	vst.idx.msk $0xffff, v1  }
0x19f: {  	v10 =	vld [tilespmem:$0x100];
	_ =	sdelay $0x4  }
0x1a0: {  	v10 =	vshll.u32 v10, $0x7  }
0x1a1: {  	v10 =	vor.u32 v0, v10;
	_ =	sdelay $0x4  }
0x1a2: {  	[tilespmem:v10+s13+$0x0] =	vst.idx.msk $0xffff, v9  }
0x1a3: {  	v10 =	vld [tilespmem:$0x110];
	_ =	sdelay $0x4  }
0x1a4: {  	v10 =	vshll.u32 v10, $0x7  }
0x1a5: {  	v10 =	vor.u32 v2, v10;
	_ =	sdelay $0x4  }
0x1a6: {  	[tilespmem:v10+s13+$0x0] =	vst.idx.msk $0xffff, v9  }
0x1a7: {  	v10 =	vld [tilespmem:$0x120];
	_ =	sdelay $0x4  }
0x1a8: {  	v10 =	vshll.u32 v10, $0x7  }
0x1a9: {  	v10 =	vor.u32 v3, v10;
	_ =	sdelay $0x4  }
0x1aa: {  	[tilespmem:v10+s13+$0x0] =	vst.idx.msk $0xffff, v9  }
0x1ab: {  	v10 =	vld [tilespmem:$0x130];
	_ =	sdelay $0x4  }
0x1ac: {  	v10 =	vshll.u32 v10, $0x7  }
0x1ad: {  	v10 =	vor.u32 v4, v10;
	_ =	sdelay $0x4  }
0x1ae: {  	[tilespmem:v10+s13+$0x0] =	vst.idx.msk $0xffff, v9  }
0x1af: {  	v10 =	vld [tilespmem:$0x140];
	_ =	sdelay $0x4  }
0x1b0: {  	v10 =	vshll.u32 v10, $0x7  }
0x1b1: {  	v10 =	vor.u32 v5, v10;
	_ =	sdelay $0x4  }
0x1b2: {  	[tilespmem:v10+s13+$0x0] =	vst.idx.msk $0xffff, v9  }
0x1b3: {  	v10 =	vld [tilespmem:$0x150];
	_ =	sdelay $0x4  }
0x1b4: {  	v10 =	vshll.u32 v10, $0x7  }
0x1b5: {  	v10 =	vor.u32 v6, v10;
	_ =	sdelay $0x4  }
0x1b6: {  	[tilespmem:v10+s13+$0x0] =	vst.idx.msk $0xffff, v9  }
0x1b7: {  	v10 =	vld [tilespmem:$0x160];
	_ =	sdelay $0x4  }
0x1b8: {  	v10 =	vshll.u32 v10, $0x7  }
0x1b9: {  	v10 =	vor.u32 v7, v10;
	_ =	sdelay $0x4  }
0x1ba: {  	[tilespmem:v10+s13+$0x0] =	vst.idx.msk $0xffff, v9  }
0x1bb: {  	v10 =	vld [tilespmem:$0x170];
	_ =	sdelay $0x4  }
0x1bc: {  	v10 =	vshll.u32 v10, $0x7  }
0x1bd: {  	v10 =	vor.u32 v8, v10;
	_ =	sdelay $0x4  }
0x1be: {  	[tilespmem:v10+s13+$0x0] =	vst.idx.msk $0xffff, v9  }
0x1bf: {  	[hbm4b:s9+s14] =	stream.strided.scatter [tilespmem:s13], [sflag:$0x1], $0x1F400, s15, s14, $0x38;
	[tilespmem:$0x1F600] =	vst v63  }
0x1c0: {  	_ =	swait.ge [sflag:s16], $0x1F400  }
0x1c1: {  	[sflag:s16] =	ssyncset.done $0x0  }
0x1c2: {  	[sflag:s16] =	ssyncadd.s32 $0xFFFE0C00  }
0x1c3: {  	v10 =	vld [tilespmem:$0x100];
	_ =	sdelay $0x4  }
0x1c4: {  	v10 =	vshll.u32 v10, $0x7  }
0x1c5: {  	v10 =	vor.u32 v0, v10;
	_ =	sdelay $0x4  }
0x1c6: {  	[tilespmem:v10+s13+$0x0] =	vst.idx.msk $0xffff, v1  }
0x1c7: {  	v10 =	vld [tilespmem:$0x110];
	_ =	sdelay $0x4  }
0x1c8: {  	v10 =	vshll.u32 v10, $0x7  }
0x1c9: {  	v10 =	vor.u32 v2, v10;
	_ =	sdelay $0x4  }
0x1ca: {  	[tilespmem:v10+s13+$0x0] =	vst.idx.msk $0xffff, v1  }
0x1cb: {  	v10 =	vld [tilespmem:$0x120];
	_ =	sdelay $0x4  }
0x1cc: {  	v10 =	vshll.u32 v10, $0x7  }
0x1cd: {  	v10 =	vor.u32 v3, v10;
	_ =	sdelay $0x4  }
0x1ce: {  	[tilespmem:v10+s13+$0x0] =	vst.idx.msk $0xffff, v1  }
0x1cf: {  	v10 =	vld [tilespmem:$0x130];
	_ =	sdelay $0x4  }
0x1d0: {  	v10 =	vshll.u32 v10, $0x7  }
0x1d1: {  	v10 =	vor.u32 v4, v10;
	_ =	sdelay $0x4  }
0x1d2: {  	[tilespmem:v10+s13+$0x0] =	vst.idx.msk $0xffff, v1  }
0x1d3: {  	v10 =	vld [tilespmem:$0x140];
	_ =	sdelay $0x4  }
0x1d4: {  	v10 =	vshll.u32 v10, $0x7  }
0x1d5: {  	v10 =	vor.u32 v5, v10;
	_ =	sdelay $0x4  }
0x1d6: {  	[tilespmem:v10+s13+$0x0] =	vst.idx.msk $0xffff, v1  }
0x1d7: {  	v10 =	vld [tilespmem:$0x150];
	_ =	sdelay $0x4  }
0x1d8: {  	v10 =	vshll.u32 v10, $0x7  }
0x1d9: {  	v10 =	vor.u32 v6, v10;
	_ =	sdelay $0x4  }
0x1da: {  	[tilespmem:v10+s13+$0x0] =	vst.idx.msk $0xffff, v1  }
0x1db: {  	v10 =	vld [tilespmem:$0x160];
	_ =	sdelay $0x4  }
0x1dc: {  	v10 =	vshll.u32 v10, $0x7  }
0x1dd: {  	v10 =	vor.u32 v7, v10;
	_ =	sdelay $0x4  }
0x1de: {  	[tilespmem:v10+s13+$0x0] =	vst.idx.msk $0xffff, v1  }
0x1df: {  	v10 =	vld [tilespmem:$0x170];
	_ =	sdelay $0x4  }
0x1e0: {  	v10 =	vshll.u32 v10, $0x7  }
0x1e1: {  	v10 =	vor.u32 v8, v10;
	_ =	sdelay $0x4  }
0x1e2: {  	[tilespmem:v10+s13+$0x0] =	vst.idx.msk $0xffff, v1  }
0x1e3: {  	v10 =	vld [tilespmem:$0x180];
	_ =	sdelay $0x4  }
0x1e4: {  	v10 =	vshll.u32 v10, $0x7  }
0x1e5: {  	v10 =	vor.u32 v0, v10;
	_ =	sdelay $0x4  }
0x1e6: {  	[tilespmem:v10+s13+$0x0] =	vst.idx.msk $0xffff, v9  }
0x1e7: {  	v10 =	vld [tilespmem:$0x190];
	_ =	sdelay $0x4  }
0x1e8: {  	v10 =	vshll.u32 v10, $0x7  }
0x1e9: {  	v10 =	vor.u32 v2, v10;
	_ =	sdelay $0x4  }
0x1ea: {  	[tilespmem:v10+s13+$0x0] =	vst.idx.msk $0xffff, v9  }
0x1eb: {  	v10 =	vld [tilespmem:$0x1A0];
	_ =	sdelay $0x4  }
0x1ec: {  	v10 =	vshll.u32 v10, $0x7  }
0x1ed: {  	v10 =	vor.u32 v3, v10;
	_ =	sdelay $0x4  }
0x1ee: {  	[tilespmem:v10+s13+$0x0] =	vst.idx.msk $0xffff, v9  }
0x1ef: {  	v10 =	vld [tilespmem:$0x1B0];
	_ =	sdelay $0x4  }
0x1f0: {  	v10 =	vshll.u32 v10, $0x7  }
0x1f1: {  	v10 =	vor.u32 v4, v10;
	_ =	sdelay $0x4  }
0x1f2: {  	[tilespmem:v10+s13+$0x0] =	vst.idx.msk $0xffff, v9  }
0x1f3: {  	v10 =	vld [tilespmem:$0x1C0];
	_ =	sdelay $0x4  }
0x1f4: {  	v10 =	vshll.u32 v10, $0x7  }
0x1f5: {  	v10 =	vor.u32 v5, v10;
	_ =	sdelay $0x4  }
0x1f6: {  	[tilespmem:v10+s13+$0x0] =	vst.idx.msk $0xffff, v9  }
0x1f7: {  	v10 =	vld [tilespmem:$0x1D0];
	_ =	sdelay $0x4  }
0x1f8: {  	v10 =	vshll.u32 v10, $0x7  }
0x1f9: {  	v10 =	vor.u32 v6, v10;
	_ =	sdelay $0x4  }
0x1fa: {  	[tilespmem:v10+s13+$0x0] =	vst.idx.msk $0xffff, v9  }
0x1fb: {  	v10 =	vld [tilespmem:$0x1E0];
	_ =	sdelay $0x4  }
0x1fc: {  	v10 =	vshll.u32 v10, $0x7  }
0x1fd: {  	v10 =	vor.u32 v7, v10;
	_ =	sdelay $0x4  }
0x1fe: {  	[tilespmem:v10+s13+$0x0] =	vst.idx.msk $0xffff, v9  }
0x1ff: {  	v10 =	vld [tilespmem:$0x1F0];
	_ =	sdelay $0x4  }
0x200: {  	v10 =	vshll.u32 v10, $0x7  }
0x201: {  	v10 =	vor.u32 v8, v10;
	_ =	sdelay $0x2  }
0x202: {  	s20 =	sadd.s32 $0x1, s20  }
0x203: {  	p0 =	sne.s32 s20, s11  }
.Ltmp4:
0x204: {  	[tilespmem:v10+s13+$0x0] =	vst.idx.msk $0xffff, v9;
	(pc) =	sbr.rel @p0 .LBB2_1-.Ltmp4, $4  }
0x205: {  	[hbm4b:s10+s14] =	stream.strided.scatter [tilespmem:s13], [sflag:$0x1], $0x1F400, s15, s14, $0x38;
	[tilespmem:$0x1F600] =	vst v63  }
0x206: {  	_ =	swait.ge [sflag:s16], $0x1F400  }
0x207: {  	[sflag:s16] =	ssyncset.done $0x0  }
0x208: {  	[sflag:s16] =	ssyncadd.s32 $0xFFFE0C00  }
0x209: {  	_ =	sfence.sel $0x180000  }
0x20a: {  	[bflag:$0x0] =	sbarrier.arrive $0xFFFF  }
0x20b: {  	p0 =	sne.s32 s1, $0x0;
	_ =	strace $0x90000047  }
0x20c: {  	s0 =	sadd.s32 @!p0 $0x100000, s0;
	[bflag:$0x2] =	sbarrier.arrive $0xFFFF  }
0x20d: {  	[sflag:s0] =	ssyncadd.tile.s32 @!p0 $0x1;
	_ =	shalt  }
.Lfunc_end2:
_tile_overlayer_lowered:
.L_overlay_start_2:
0x20e: {  	(tag) =	ssettag $0x2  }
0x20f: {  	s0 =	rddreg [dreg:$0x0];
	s2 =	stileid.u32  }
0x210: {  	s1 =	rddreg [dreg:$0x1];
	p0 =	sne.s32 s2, $0x0  }
0x211: {  	s3 =	rddreg [dreg:$0x2];
	[bflag:$0x3] =	sbarrier.arrive $0xFFFF;
	s2 =	simm.s32 @!p0 $0x1C03  }
0x212: {  	[timem:s3], [sflag:s2] =	dma.local @!p0 [hbm:s0], s1  }
0x213: {  	s0 =	simm.s32 @!p0 $0x3  }
0x214: {  	_ =	swait.ge @!p0 [sflag:s0], s1  }
0x215: {  	s1 =	ssub.s32 @!p0 $0x0, s1;
	[sflag:s0] =	ssyncset.done @!p0 $0x0  }
0x216: {  	[sflag:s0] =	ssyncadd.s32 @!p0 s1  }
0x217: {  	[bflag:$0x3] =	sbarrier.arrive $0xFFFF  }
0x218: {  	_ =	shalt  }

</sc_bundles>
